<compile_context>
chip_gen: v7x
topology: tpu7x:2x2x1
jax: 0.10.2.dev20260603
libtpu: 0.0.44.dev20260713+nightly
codegen_flags: <defaults>
</compile_context>

<pallas_src>
import functools

import jax
import jax.numpy as jnp
from jax import lax
from jax.experimental import pallas as pl
from jax.experimental.pallas import tpu as pltpu
from jax.experimental.pallas import tpu_sc as plsc

N = 10000
E = 320000
D = 128
NC = 2
NS = 16
NW = NC * NS
K = 128
RND = 80
EPW = RND * K
NPAD = 10240
SPT = NPAD // NS
BLK = 1000
CW = 16


def _seg_body(nph, with_count, async_scatter, *refs):
    it = iter(refs)
    P_list = [next(it) for _ in range(nph)]
    src_hbm = next(it)
    dst_hbm = next(it)
    ones_hbm = next(it)
    zrow_hbm = next(it)
    zcnt_hbm = next(it)
    S_list = [next(it) for _ in range(nph)]
    C_hbm = next(it) if with_count else None
    src_v = next(it)
    dst_v = next(it)
    buf0 = next(it)
    buf1 = next(it)
    ones_v = next(it) if with_count else None
    acc = next(it)
    cacc = next(it) if with_count else None
    gsem0 = next(it)
    gsem1 = next(it)
    ssem0 = next(it) if async_scatter else None
    ssem1 = next(it) if async_scatter else None

    c = lax.axis_index("c")
    s = lax.axis_index("s")
    wid = c * NS + s
    stripe = pl.ds(s * SPT, SPT)

    pltpu.sync_copy(src_hbm.at[wid], src_v)
    pltpu.sync_copy(dst_hbm.at[wid], dst_v)
    if with_count:
        pltpu.sync_copy(ones_hbm, ones_v)

    for ph in range(nph):
        count_now = with_count and ph == 0
        P_hbm = P_list[ph]

        pltpu.sync_copy(zrow_hbm, acc.at[stripe])
        if count_now:
            pltpu.sync_copy(zcnt_hbm, cacc.at[stripe])
        plsc.subcore_barrier()

        def start_gather(j, buf, sem):
            pltpu.async_copy(P_hbm.at[src_v.at[j]], buf, sem)

        def finish(j, buf, sem):
            pltpu.make_async_copy(P_hbm.at[src_v.at[j]], buf, sem).wait()
            pltpu.sync_copy(buf, acc.at[dst_v.at[j]], add=True)
            if count_now:
                pltpu.sync_copy(ones_v, cacc.at[dst_v.at[j]], add=True)

        if not async_scatter:
            start_gather(0, buf0, gsem0)

            @pl.loop(0, RND - 2, step=2)
            def _(j):
                start_gather(j + 1, buf1, gsem1)
                finish(j, buf0, gsem0)
                start_gather(j + 2, buf0, gsem0)
                finish(j + 1, buf1, gsem1)

            start_gather(RND - 1, buf1, gsem1)
            finish(RND - 2, buf0, gsem0)
            finish(RND - 1, buf1, gsem1)
        else:
            def absorb(j, buf, gsem, ssem):
                pltpu.make_async_copy(P_hbm.at[src_v.at[j]], buf, gsem).wait()
                return pltpu.async_copy(buf, acc.at[dst_v.at[j]], ssem,
                                        add=True)

            start_gather(0, buf0, gsem0)
            start_gather(1, buf1, gsem1)

            @pl.loop(0, RND - 2, step=2)
            def _(j):
                d0 = absorb(j, buf0, gsem0, ssem0)
                d1 = absorb(j + 1, buf1, gsem1, ssem1)
                d0.wait()
                start_gather(j + 2, buf0, gsem0)
                d1.wait()
                start_gather(j + 3, buf1, gsem1)

            d0 = absorb(RND - 2, buf0, gsem0, ssem0)
            d1 = absorb(RND - 1, buf1, gsem1, ssem1)
            d0.wait()
            d1.wait()

        plsc.subcore_barrier()
        pltpu.sync_copy(acc.at[stripe], S_list[ph].at[c, stripe])
        if count_now:
            pltpu.sync_copy(cacc.at[stripe], C_hbm.at[c, stripe])


def _make_segsum(nph, W, dtype, with_count, async_scatter=False):
    mesh = plsc.VectorSubcoreMesh(core_axis_name="c", subcore_axis_name="s",
                                  num_cores=NC, num_subcores=NS)
    outs = [jax.ShapeDtypeStruct((NC, NPAD, W), dtype) for _ in range(nph)]
    if with_count:
        outs.append(jax.ShapeDtypeStruct((NC, NPAD, CW), jnp.float32))
    scratch = [
        pltpu.VMEM((RND, K), jnp.int32),
        pltpu.VMEM((RND, K), jnp.int32),
        pltpu.VMEM((K, W), dtype),
        pltpu.VMEM((K, W), dtype),
    ]
    if with_count:
        scratch.append(pltpu.VMEM((K, CW), jnp.float32))
    scratch.append(pltpu.VMEM_SHARED((NPAD, W), dtype))
    if with_count:
        scratch.append(pltpu.VMEM_SHARED((NPAD, CW), jnp.float32))
    scratch += [pltpu.SemaphoreType.DMA] * (4 if async_scatter else 2)
    return pl.kernel(
        functools.partial(_seg_body, nph, with_count, async_scatter),
        out_type=outs,
        mesh=mesh,
        scratch_types=scratch,
        compiler_params=pltpu.CompilerParams(use_tc_tiling_on_sc=False),
    )


@functools.cache
def _segsum(nph, W, dtype, with_count, async_scatter=False):
    return _make_segsum(nph, W, dtype, with_count, async_scatter)


def _dot_t(a, w):
    return lax.dot_general(a, w, (((1,), (1,)), ((), ())),
                           preferred_element_type=jnp.float32)


def _tc_matmul(x, Wl, Wr, dtypes):
    din = x.shape[1]
    wl_sh, wr_sh = Wl.shape, Wr.shape

    def body(x_ref, wl_ref, wr_ref, p_ref, r_ref):
        xb = x_ref[...]
        p_ref[...] = _dot_t(xb, wl_ref[...]).astype(dtypes[0])
        r_ref[...] = _dot_t(xb, wr_ref[...]).astype(dtypes[1])

    return pl.pallas_call(
        body,
        grid=(N // BLK,),
        in_specs=[pl.BlockSpec((BLK, din), lambda i: (i, 0)),
                  pl.BlockSpec(wl_sh, lambda i: (0, 0)),
                  pl.BlockSpec(wr_sh, lambda i: (0, 0))],
        out_specs=[pl.BlockSpec((BLK, wl_sh[0]), lambda i: (i, 0)),
                   pl.BlockSpec((BLK, wr_sh[0]), lambda i: (i, 0))],
        out_shape=[jax.ShapeDtypeStruct((N, wl_sh[0]), dtypes[0]),
                   jax.ShapeDtypeStruct((N, wr_sh[0]), dtypes[1])],
    )(x, Wl, Wr)


def _tc_mid(Sp, Cp, R, b, g, be, rm, rv, Wln, Wrn, dtypes):
    wl_sh, wr_sh = Wln.shape, Wrn.shape

    def body(s_ref, c_ref, r_ref, b_ref, g_ref, be_ref, rm_ref, rv_ref,
             wl_ref, wr_ref, p_ref, rn_ref):
        ssum = (s_ref[0].astype(jnp.float32) + s_ref[1].astype(jnp.float32))
        cnt = c_ref[0, :, 0:1] + c_ref[1, :, 0:1]
        scale = g_ref[...] * lax.rsqrt(rv_ref[...] + 1e-5)
        shift = be_ref[...] - rm_ref[...] * scale
        h = ssum / jnp.maximum(cnt, 1.0) + b_ref[...] + r_ref[...]
        h = jnp.maximum(h * scale + shift, 0.0)
        p_ref[...] = _dot_t(h, wl_ref[...]).astype(dtypes[0])
        rn_ref[...] = _dot_t(h, wr_ref[...]).astype(dtypes[1])

    vec = pl.BlockSpec((D,), lambda i: (0,))
    return pl.pallas_call(
        body,
        grid=(N // BLK,),
        in_specs=[pl.BlockSpec((NC, BLK, D), lambda i: (0, i, 0)),
                  pl.BlockSpec((NC, BLK, CW), lambda i: (0, i, 0)),
                  pl.BlockSpec((BLK, D), lambda i: (i, 0)),
                  vec, vec, vec, vec, vec,
                  pl.BlockSpec(wl_sh, lambda i: (0, 0)),
                  pl.BlockSpec(wr_sh, lambda i: (0, 0))],
        out_specs=[pl.BlockSpec((BLK, wl_sh[0]), lambda i: (i, 0)),
                   pl.BlockSpec((BLK, wr_sh[0]), lambda i: (i, 0))],
        out_shape=[jax.ShapeDtypeStruct((N, wl_sh[0]), dtypes[0]),
                   jax.ShapeDtypeStruct((N, wr_sh[0]), dtypes[1])],
    )(Sp, Cp, R, b, g, be, rm, rv, Wln, Wrn)


def _tc_fin(Sp, Cp, R, b, C_out):
    def body(s_ref, c_ref, r_ref, b_ref, o_ref):
        ssum = s_ref[0] + s_ref[1]
        cnt = c_ref[0, :, 0:1] + c_ref[1, :, 0:1]
        o = ssum / jnp.maximum(cnt, 1.0) + b_ref[...] + r_ref[...]
        o_ref[...] = o[:, :C_out]

    return pl.pallas_call(
        body,
        grid=(N // BLK,),
        in_specs=[pl.BlockSpec((NC, BLK, CW), lambda i: (0, i, 0)),
                  pl.BlockSpec((NC, BLK, CW), lambda i: (0, i, 0)),
                  pl.BlockSpec((BLK, CW), lambda i: (i, 0)),
                  pl.BlockSpec((CW,), lambda i: (0,))],
        out_specs=pl.BlockSpec((BLK, C_out), lambda i: (i, 0)),
        out_shape=jax.ShapeDtypeStruct((N, C_out), jnp.float32),
    )(Sp, Cp, R, b)


def kernel(x, edge_index, Wl0, Wr0, b0, g0, be0, rm0, rv0,
           Wl1, Wr1, b1, g1, be1, rm1, rv1, Wl2, Wr2, b2):
    C_out = Wl2.shape[0]

    pad = ((0, CW - C_out), (0, 0))
    Wl2p = jnp.pad(Wl2, pad)
    Wr2p = jnp.pad(Wr2, pad)
    b2p = jnp.pad(b2, (0, CW - C_out))

    npad_edges = NW * EPW - E
    iota_pad = jnp.arange(npad_edges, dtype=jnp.int32)
    src_p = jnp.concatenate(
        [edge_index[0], jax.lax.rem(iota_pad * 37, jnp.int32(N))])
    dst_p = jnp.concatenate(
        [edge_index[1],
         N + jax.lax.rem(iota_pad * 37, jnp.int32(NPAD - N))])
    src3 = src_p.reshape(NW, RND, K)
    dst3 = dst_p.reshape(NW, RND, K)
    ones16 = jnp.ones((K, CW), jnp.float32)
    zbf = jnp.zeros((SPT, D), jnp.bfloat16)
    z16 = jnp.zeros((SPT, CW), jnp.float32)
    f32, bf16 = jnp.float32, jnp.bfloat16

    P0, R0 = _tc_matmul(x, Wl0, Wr0, (bf16, f32))
    S0, CNT = jax.tree.leaves(
        _segsum(1, D, bf16, True)(P0, src3, dst3, ones16, zbf, z16))
    P1, R1 = _tc_mid(S0, CNT, R0, b0, g0, be0, rm0, rv0,
                     Wl1, Wr1, (bf16, f32))
    (S1,) = jax.tree.leaves(
        _segsum(1, D, bf16, False)(P1, src3, dst3, ones16, zbf, z16))
    P2, R2 = _tc_mid(S1, CNT, R1, b1, g1, be1, rm1, rv1,
                     Wl2p, Wr2p, (f32, f32))
    (S2,) = jax.tree.leaves(
        _segsum(1, CW, f32, False)(P2, src3, dst3, ones16, z16, z16))
    return _tc_fin(S2, CNT, R2, b2p, C_out)

# --- scband reference (transcript-rebuilt; emitter-appended) ---
"""Pipeline reference for scband-graph-sagefraud-detector-19567871001357 (READ-ONLY COPY).

The authoritative reference and input builder live on the scoring server;
editing this copy changes nothing except your own understanding.
"""

import jax, jax.numpy as jnp
import numpy as np

N, E, D, H, C = 10000, 320000, 128, 128, 2

def setup_inputs(seed: int = 0) -> dict:
    key = jax.random.key(seed)
    ks = jax.random.split(key, 24)
    inp = {}
    inp['x'] = jax.random.normal(ks[0], (N, D), dtype=jnp.float32)
    inp['edge_index'] = jax.random.randint(ks[1], (2, E), 0, N, dtype=jnp.int32)
    sD = 1.0 / np.sqrt(D)
    sH = 1.0 / np.sqrt(H)
    # SAGEConv layer 0: in D -> H
    inp['Wl0'] = jax.random.normal(ks[2], (H, D), dtype=jnp.float32) * sD
    inp['Wr0'] = jax.random.normal(ks[3], (H, D), dtype=jnp.float32) * sD
    inp['b0'] = jnp.zeros((H,), dtype=jnp.float32)
    # BatchNorm 0 (eval mode)
    inp['g0'] = jnp.ones((H,), dtype=jnp.float32)
    inp['be0'] = jnp.zeros((H,), dtype=jnp.float32)
    inp['rm0'] = jnp.zeros((H,), dtype=jnp.float32)
    inp['rv0'] = jnp.ones((H,), dtype=jnp.float32)
    # SAGEConv layer 1: H -> H
    inp['Wl1'] = jax.random.normal(ks[4], (H, H), dtype=jnp.float32) * sH
    inp['Wr1'] = jax.random.normal(ks[5], (H, H), dtype=jnp.float32) * sH
    inp['b1'] = jnp.zeros((H,), dtype=jnp.float32)
    # BatchNorm 1 (eval mode)
    inp['g1'] = jnp.ones((H,), dtype=jnp.float32)
    inp['be1'] = jnp.zeros((H,), dtype=jnp.float32)
    inp['rm1'] = jnp.zeros((H,), dtype=jnp.float32)
    inp['rv1'] = jnp.ones((H,), dtype=jnp.float32)
    # SAGEConv layer 2: H -> C
    inp['Wl2'] = jax.random.normal(ks[6], (C, H), dtype=jnp.float32) * sH
    inp['Wr2'] = jax.random.normal(ks[7], (C, H), dtype=jnp.float32) * sH
    inp['b2'] = jnp.zeros((C,), dtype=jnp.float32)
    return inp

def _sage_conv(x, edge_index, Wl, Wr, b):
    # PyG SAGEConv with mean aggregation:
    # out = lin_l(mean_{j in N(i)} x_j) + lin_r(x_i)
    src = edge_index[0]
    dst = edge_index[1]
    n = x.shape[0]
    msgs = jnp.take(x, src, axis=0)
    agg = jax.ops.segment_sum(msgs, dst, num_segments=n)
    cnt = jax.ops.segment_sum(jnp.ones((edge_index.shape[1], 1), dtype=x.dtype), dst, num_segments=n)
    agg = agg / jnp.maximum(cnt, 1.0)
    return agg @ Wl.T + b + x @ Wr.T

def _batch_norm_eval(x, g, be, rm, rv):
    return (x - rm) / jnp.sqrt(rv + 1e-5) * g + be

def reference(x, edge_index, Wl0, Wr0, b0, g0, be0, rm0, rv0, Wl1, Wr1, b1, g1, be1, rm1, rv1, Wl2, Wr2, b2):
    # layer 0
    h = _sage_conv(x, edge_index, Wl0, Wr0, b0)
    h = _batch_norm_eval(h, g0, be0, rm0, rv0)
    h = jax.nn.relu(h)
    # dropout is identity in eval mode
    # layer 1
    h = _sage_conv(h, edge_index, Wl1, Wr1, b1)
    h = _batch_norm_eval(h, g1, be1, rm1, rv1)
    h = jax.nn.relu(h)
    # layer 2 (no BN / relu / dropout)
    out = _sage_conv(h, edge_index, Wl2, Wr2, b2)
    return out

if __name__ == "__main__":
    import jax
    _d = setup_inputs()
    print(jax.jit(kernel)(*tuple(_d.values())))

</pallas_src>

<mosaic_0001>
#map = affine_map<(d0, d1) -> (0, 0)>
#map1 = affine_map<(d0, d1) -> (0, 0, 0)>
module attributes {stable_mosaic.version = 14 : i64} {
  func.func @_seg_body(%arg0: i32, %arg1: i32, %arg2: memref<10000x128xbf16, #tpu.memory_space<hbm>>, %arg3: memref<32x80x128xi32, #tpu.memory_space<hbm>>, %arg4: memref<32x80x128xi32, #tpu.memory_space<hbm>>, %arg5: memref<128x16xf32, #tpu.memory_space<hbm>>, %arg6: memref<640x128xbf16, #tpu.memory_space<hbm>>, %arg7: memref<640x16xf32, #tpu.memory_space<hbm>>, %arg8: memref<2x10240x128xbf16, #tpu.memory_space<hbm>>, %arg9: memref<2x10240x16xf32, #tpu.memory_space<hbm>>, %arg10: memref<80x128xi32, #tpu.memory_space<vmem>>, %arg11: memref<80x128xi32, #tpu.memory_space<vmem>>, %arg12: memref<128x128xbf16, #tpu.memory_space<vmem>>, %arg13: memref<128x128xbf16, #tpu.memory_space<vmem>>, %arg14: memref<128x16xf32, #tpu.memory_space<vmem>>, %arg15: memref<10240x128xbf16, #tpu.memory_space<vmem_shared>>, %arg16: memref<10240x16xf32, #tpu.memory_space<vmem_shared>>, %arg17: memref<!tpu.dma_semaphore, #tpu.memory_space<semaphore_mem>>, %arg18: memref<!tpu.dma_semaphore, #tpu.memory_space<semaphore_mem>>) attributes {dimension_semantics = [#tpu.dimension_semantics<core_parallel>, #tpu.dimension_semantics<subcore_parallel>], iteration_bounds = array<i64: 2, 16>, scalar_prefetch = 0 : i64, scratch_operands = 9 : i64, tpu.core_type = #tpu.core_type<sc_vector_subcore>, window_params = [{transform_indices = #map}, {transform_indices = #map1}, {transform_indices = #map1}, {transform_indices = #map}, {transform_indices = #map}, {transform_indices = #map}, {transform_indices = #map1}, {transform_indices = #map1}]} {
    %mul3A = arith.constant 16 : i32
    %mul3A_0 = arith.muli %arg0, %mul3A : i32
    %add3A = arith.addi %mul3A_0, %arg1 : i32
    %mul3A_1 = arith.constant 640 : i32
    %mul3A_2 = arith.muli %arg1, %mul3A_1 : i32
    "tpu.region"() ({
      %run_scoped3A_37 = tpu.sem_alloc : memref<!tpu.dma_semaphore, #tpu.memory_space<semaphore_mem>>
      %dma_start3A_38 = arith.constant 0 : i32
      %dma_start3A_39 = arith.constant 0 : i32
      %dma_start3A_40 = tpu.memref_slice %arg3[%add3A, %dma_start3A_38, %dma_start3A_39] : memref<32x80x128xi32, #tpu.memory_space<hbm>> -> memref<1x80x128xi32, #tpu.memory_space<hbm>>
      %dma_start3A_41 = tpu.memref_squeeze %dma_start3A_40 : memref<1x80x128xi32, #tpu.memory_space<hbm>> -> memref<80x128xi32, #tpu.memory_space<hbm>>
      %dma_start3A_42 = arith.constant 0 : i32
      %dma_start3A_43 = arith.constant 0 : i32
      %dma_start3A_44 = tpu.memref_slice %arg3[%add3A, %dma_start3A_42, %dma_start3A_43] : memref<32x80x128xi32, #tpu.memory_space<hbm>> -> memref<1x80x128xi32, #tpu.memory_space<hbm>>
      %dma_start3A_45 = tpu.memref_squeeze %dma_start3A_44 : memref<1x80x128xi32, #tpu.memory_space<hbm>> -> memref<80x128xi32, #tpu.memory_space<hbm>>
      tpu.enqueue_dma source(%dma_start3A_45 : memref<80x128xi32, #tpu.memory_space<hbm>>) target(%arg10 : memref<80x128xi32, #tpu.memory_space<vmem>>) target_semaphore(%run_scoped3A_37 : memref<!tpu.dma_semaphore, #tpu.memory_space<semaphore_mem>>)
      %dma_wait3A_46 = arith.constant 0 : i32
      %dma_wait3A_47 = arith.constant 0 : i32
      %dma_wait3A_48 = tpu.memref_slice %arg3[%add3A, %dma_wait3A_46, %dma_wait3A_47] : memref<32x80x128xi32, #tpu.memory_space<hbm>> -> memref<1x80x128xi32, #tpu.memory_space<hbm>>
      %dma_wait3A_49 = tpu.memref_squeeze %dma_wait3A_48 : memref<1x80x128xi32, #tpu.memory_space<hbm>> -> memref<80x128xi32, #tpu.memory_space<hbm>>
      %dma_wait3A_50 = arith.constant 0 : i32
      %dma_wait3A_51 = arith.constant 0 : i32
      %dma_wait3A_52 = tpu.memref_slice %arg3[%add3A, %dma_wait3A_50, %dma_wait3A_51] : memref<32x80x128xi32, #tpu.memory_space<hbm>> -> memref<1x80x128xi32, #tpu.memory_space<hbm>>
      %dma_wait3A_53 = tpu.memref_squeeze %dma_wait3A_52 : memref<1x80x128xi32, #tpu.memory_space<hbm>> -> memref<80x128xi32, #tpu.memory_space<hbm>>
      tpu.wait_dma2 semaphore(%run_scoped3A_37 : memref<!tpu.dma_semaphore, #tpu.memory_space<semaphore_mem>>) src(%dma_wait3A_53 : memref<80x128xi32, #tpu.memory_space<hbm>>) dst(%arg10 : memref<80x128xi32, #tpu.memory_space<vmem>>)
      tpu.yield
    }) : () -> ()
    "tpu.region"() ({
      %run_scoped3A_37 = tpu.sem_alloc : memref<!tpu.dma_semaphore, #tpu.memory_space<semaphore_mem>>
      %dma_start3A_38 = arith.constant 0 : i32
      %dma_start3A_39 = arith.constant 0 : i32
      %dma_start3A_40 = tpu.memref_slice %arg4[%add3A, %dma_start3A_38, %dma_start3A_39] : memref<32x80x128xi32, #tpu.memory_space<hbm>> -> memref<1x80x128xi32, #tpu.memory_space<hbm>>
      %dma_start3A_41 = tpu.memref_squeeze %dma_start3A_40 : memref<1x80x128xi32, #tpu.memory_space<hbm>> -> memref<80x128xi32, #tpu.memory_space<hbm>>
      %dma_start3A_42 = arith.constant 0 : i32
      %dma_start3A_43 = arith.constant 0 : i32
      %dma_start3A_44 = tpu.memref_slice %arg4[%add3A, %dma_start3A_42, %dma_start3A_43] : memref<32x80x128xi32, #tpu.memory_space<hbm>> -> memref<1x80x128xi32, #tpu.memory_space<hbm>>
      %dma_start3A_45 = tpu.memref_squeeze %dma_start3A_44 : memref<1x80x128xi32, #tpu.memory_space<hbm>> -> memref<80x128xi32, #tpu.memory_space<hbm>>
      tpu.enqueue_dma source(%dma_start3A_45 : memref<80x128xi32, #tpu.memory_space<hbm>>) target(%arg11 : memref<80x128xi32, #tpu.memory_space<vmem>>) target_semaphore(%run_scoped3A_37 : memref<!tpu.dma_semaphore, #tpu.memory_space<semaphore_mem>>)
      %dma_wait3A_46 = arith.constant 0 : i32
      %dma_wait3A_47 = arith.constant 0 : i32
      %dma_wait3A_48 = tpu.memref_slice %arg4[%add3A, %dma_wait3A_46, %dma_wait3A_47] : memref<32x80x128xi32, #tpu.memory_space<hbm>> -> memref<1x80x128xi32, #tpu.memory_space<hbm>>
      %dma_wait3A_49 = tpu.memref_squeeze %dma_wait3A_48 : memref<1x80x128xi32, #tpu.memory_space<hbm>> -> memref<80x128xi32, #tpu.memory_space<hbm>>
      %dma_wait3A_50 = arith.constant 0 : i32
      %dma_wait3A_51 = arith.constant 0 : i32
      %dma_wait3A_52 = tpu.memref_slice %arg4[%add3A, %dma_wait3A_50, %dma_wait3A_51] : memref<32x80x128xi32, #tpu.memory_space<hbm>> -> memref<1x80x128xi32, #tpu.memory_space<hbm>>
      %dma_wait3A_53 = tpu.memref_squeeze %dma_wait3A_52 : memref<1x80x128xi32, #tpu.memory_space<hbm>> -> memref<80x128xi32, #tpu.memory_space<hbm>>
      tpu.wait_dma2 semaphore(%run_scoped3A_37 : memref<!tpu.dma_semaphore, #tpu.memory_space<semaphore_mem>>) src(%dma_wait3A_53 : memref<80x128xi32, #tpu.memory_space<hbm>>) dst(%arg11 : memref<80x128xi32, #tpu.memory_space<vmem>>)
      tpu.yield
    }) : () -> ()
    "tpu.region"() ({
      %run_scoped3A_37 = tpu.sem_alloc : memref<!tpu.dma_semaphore, #tpu.memory_space<semaphore_mem>>
      tpu.enqueue_dma source(%arg5 : memref<128x16xf32, #tpu.memory_space<hbm>>) target(%arg14 : memref<128x16xf32, #tpu.memory_space<vmem>>) target_semaphore(%run_scoped3A_37 : memref<!tpu.dma_semaphore, #tpu.memory_space<semaphore_mem>>)
      tpu.wait_dma2 semaphore(%run_scoped3A_37 : memref<!tpu.dma_semaphore, #tpu.memory_space<semaphore_mem>>) src(%arg5 : memref<128x16xf32, #tpu.memory_space<hbm>>) dst(%arg14 : memref<128x16xf32, #tpu.memory_space<vmem>>)
      tpu.yield
    }) : () -> ()
    "tpu.region"() ({
      %run_scoped3A_37 = tpu.sem_alloc : memref<!tpu.dma_semaphore, #tpu.memory_space<semaphore_mem>>
      %dma_start3A_38 = arith.constant 0 : i32
      %dma_start3A_39 = tpu.memref_slice %arg15[%mul3A_2, %dma_start3A_38] : memref<10240x128xbf16, #tpu.memory_space<vmem_shared>> -> memref<640x128xbf16, #tpu.memory_space<vmem_shared>>
      tpu.enqueue_dma source(%arg6 : memref<640x128xbf16, #tpu.memory_space<hbm>>) target(%dma_start3A_39 : memref<640x128xbf16, #tpu.memory_space<vmem_shared>>) target_semaphore(%run_scoped3A_37 : memref<!tpu.dma_semaphore, #tpu.memory_space<semaphore_mem>>)
      %dma_wait3A_40 = arith.constant 0 : i32
      %dma_wait3A_41 = tpu.memref_slice %arg15[%mul3A_2, %dma_wait3A_40] : memref<10240x128xbf16, #tpu.memory_space<vmem_shared>> -> memref<640x128xbf16, #tpu.memory_space<vmem_shared>>
      tpu.wait_dma2 semaphore(%run_scoped3A_37 : memref<!tpu.dma_semaphore, #tpu.memory_space<semaphore_mem>>) src(%arg6 : memref<640x128xbf16, #tpu.memory_space<hbm>>) dst(%dma_wait3A_41 : memref<640x128xbf16, #tpu.memory_space<vmem_shared>>)
      tpu.yield
    }) : () -> ()
    "tpu.region"() ({
      %run_scoped3A_37 = tpu.sem_alloc : memref<!tpu.dma_semaphore, #tpu.memory_space<semaphore_mem>>
      %dma_start3A_38 = arith.constant 0 : i32
      %dma_start3A_39 = tpu.memref_slice %arg16[%mul3A_2, %dma_start3A_38] : memref<10240x16xf32, #tpu.memory_space<vmem_shared>> -> memref<640x16xf32, #tpu.memory_space<vmem_shared>>
      tpu.enqueue_dma source(%arg7 : memref<640x16xf32, #tpu.memory_space<hbm>>) target(%dma_start3A_39 : memref<640x16xf32, #tpu.memory_space<vmem_shared>>) target_semaphore(%run_scoped3A_37 : memref<!tpu.dma_semaphore, #tpu.memory_space<semaphore_mem>>)
      %dma_wait3A_40 = arith.constant 0 : i32
      %dma_wait3A_41 = tpu.memref_slice %arg16[%mul3A_2, %dma_wait3A_40] : memref<10240x16xf32, #tpu.memory_space<vmem_shared>> -> memref<640x16xf32, #tpu.memory_space<vmem_shared>>
      tpu.wait_dma2 semaphore(%run_scoped3A_37 : memref<!tpu.dma_semaphore, #tpu.memory_space<semaphore_mem>>) src(%arg7 : memref<640x16xf32, #tpu.memory_space<hbm>>) dst(%dma_wait3A_41 : memref<640x16xf32, #tpu.memory_space<vmem_shared>>)
      tpu.yield
    }) : () -> ()
    %barrier3A = arith.constant 0 : index
    tpu.barrier barrier_id(%barrier3A)
    %dma_start3A = arith.constant 0 : i32
    %dma_start3A_3 = arith.constant 0 : i32
    %dma_start3A_4 = tpu.memref_slice %arg10[%dma_start3A, %dma_start3A_3] : memref<80x128xi32, #tpu.memory_space<vmem>> -> memref<1x128xi32, #tpu.memory_space<vmem>>
    %dma_start3A_5 = tpu.memref_squeeze %dma_start3A_4 : memref<1x128xi32, #tpu.memory_space<vmem>> -> memref<128xi32, #tpu.memory_space<vmem>>
    %dma_start3A_6 = arith.constant 0 : i32
    %dma_start3A_7 = arith.constant 0 : i32
    %dma_start3A_8 = tpu.memref_slice %arg2[%dma_start3A_6, %dma_start3A_7] : memref<10000x128xbf16, #tpu.memory_space<hbm>> -> memref<10000x128xbf16, #tpu.memory_space<hbm>>
    tpu.enqueue_indirect_dma source(%dma_start3A_8 : memref<10000x128xbf16, #tpu.memory_space<hbm>>) target(%arg12 : memref<128x128xbf16, #tpu.memory_space<vmem>>) offsets(%dma_start3A_5 : memref<128xi32, #tpu.memory_space<vmem>>) semaphore(%arg17 : memref<!tpu.dma_semaphore, #tpu.memory_space<semaphore_mem>>)
    %scan3A = arith.constant 0 : i32
    %scan3A_9 = arith.constant 39 : i32
    %scan3A_10 = arith.addi %scan3A, %scan3A_9 : i32
    %scan3A_11 = arith.constant 1 : i32
    scf.for %scan3A_37 = %scan3A to %scan3A_10 step %scan3A_11  : i32 {
      %mul3A_38 = arith.constant 2 : i32
      %mul3A_39 = arith.muli %scan3A_37, %mul3A_38 : i32
      %add3A_40 = arith.constant 0 : i32
      %add3A_41 = arith.addi %add3A_40, %mul3A_39 : i32
      %add3A_42 = arith.constant 1 : i32
      %add3A_43 = arith.addi %add3A_41, %add3A_42 : i32
      %dma_start3A_44 = arith.constant 0 : i32
      %dma_start3A_45 = tpu.memref_slice %arg10[%add3A_43, %dma_start3A_44] : memref<80x128xi32, #tpu.memory_space<vmem>> -> memref<1x128xi32, #tpu.memory_space<vmem>>
      %dma_start3A_46 = tpu.memref_squeeze %dma_start3A_45 : memref<1x128xi32, #tpu.memory_space<vmem>> -> memref<128xi32, #tpu.memory_space<vmem>>
      %dma_start3A_47 = arith.constant 0 : i32
      %dma_start3A_48 = arith.constant 0 : i32
      %dma_start3A_49 = tpu.memref_slice %arg2[%dma_start3A_47, %dma_start3A_48] : memref<10000x128xbf16, #tpu.memory_space<hbm>> -> memref<10000x128xbf16, #tpu.memory_space<hbm>>
      tpu.enqueue_indirect_dma source(%dma_start3A_49 : memref<10000x128xbf16, #tpu.memory_space<hbm>>) target(%arg13 : memref<128x128xbf16, #tpu.memory_space<vmem>>) offsets(%dma_start3A_46 : memref<128xi32, #tpu.memory_space<vmem>>) semaphore(%arg18 : memref<!tpu.dma_semaphore, #tpu.memory_space<semaphore_mem>>)
      %dma_wait3A_50 = arith.constant 0 : i32
      %dma_wait3A_51 = tpu.memref_slice %arg10[%add3A_41, %dma_wait3A_50] : memref<80x128xi32, #tpu.memory_space<vmem>> -> memref<1x128xi32, #tpu.memory_space<vmem>>
      %dma_wait3A_52 = tpu.memref_squeeze %dma_wait3A_51 : memref<1x128xi32, #tpu.memory_space<vmem>> -> memref<128xi32, #tpu.memory_space<vmem>>
      %dma_wait3A_53 = arith.constant 0 : i32
      %dma_wait3A_54 = arith.constant 0 : i32
      %dma_wait3A_55 = tpu.memref_slice %arg2[%dma_wait3A_53, %dma_wait3A_54] : memref<10000x128xbf16, #tpu.memory_space<hbm>> -> memref<10000x128xbf16, #tpu.memory_space<hbm>>
      tpu.wait_indirect_dma semaphore(%arg17 : memref<!tpu.dma_semaphore, #tpu.memory_space<semaphore_mem>>) src(%dma_wait3A_55 : memref<10000x128xbf16, #tpu.memory_space<hbm>>) dst(%arg12 : memref<128x128xbf16, #tpu.memory_space<vmem>>)
      "tpu.region"() ({
        %run_scoped3A_72 = tpu.sem_alloc : memref<!tpu.dma_semaphore, #tpu.memory_space<semaphore_mem>>
        %dma_start3A_73 = arith.constant 0 : i32
        %dma_start3A_74 = tpu.memref_slice %arg11[%add3A_41, %dma_start3A_73] : memref<80x128xi32, #tpu.memory_space<vmem>> -> memref<1x128xi32, #tpu.memory_space<vmem>>
        %dma_start3A_75 = tpu.memref_squeeze %dma_start3A_74 : memref<1x128xi32, #tpu.memory_space<vmem>> -> memref<128xi32, #tpu.memory_space<vmem>>
        %dma_start3A_76 = arith.constant 0 : i32
        %dma_start3A_77 = arith.constant 0 : i32
        %dma_start3A_78 = tpu.memref_slice %arg15[%dma_start3A_76, %dma_start3A_77] : memref<10240x128xbf16, #tpu.memory_space<vmem_shared>> -> memref<10240x128xbf16, #tpu.memory_space<vmem_shared>>
        tpu.enqueue_indirect_dma source(%arg12 : memref<128x128xbf16, #tpu.memory_space<vmem>>) target(%dma_start3A_78 : memref<10240x128xbf16, #tpu.memory_space<vmem_shared>>) offsets(%dma_start3A_75 : memref<128xi32, #tpu.memory_space<vmem>>) semaphore(%run_scoped3A_72 : memref<!tpu.dma_semaphore, #tpu.memory_space<semaphore_mem>>) {add = true}
        %dma_wait3A_79 = arith.constant 0 : i32
        %dma_wait3A_80 = tpu.memref_slice %arg11[%add3A_41, %dma_wait3A_79] : memref<80x128xi32, #tpu.memory_space<vmem>> -> memref<1x128xi32, #tpu.memory_space<vmem>>
        %dma_wait3A_81 = tpu.memref_squeeze %dma_wait3A_80 : memref<1x128xi32, #tpu.memory_space<vmem>> -> memref<128xi32, #tpu.memory_space<vmem>>
        %dma_wait3A_82 = arith.constant 0 : i32
        %dma_wait3A_83 = arith.constant 0 : i32
        %dma_wait3A_84 = tpu.memref_slice %arg15[%dma_wait3A_82, %dma_wait3A_83] : memref<10240x128xbf16, #tpu.memory_space<vmem_shared>> -> memref<10240x128xbf16, #tpu.memory_space<vmem_shared>>
        tpu.wait_indirect_dma semaphore(%run_scoped3A_72 : memref<!tpu.dma_semaphore, #tpu.memory_space<semaphore_mem>>) src(%arg12 : memref<128x128xbf16, #tpu.memory_space<vmem>>) dst(%dma_wait3A_84 : memref<10240x128xbf16, #tpu.memory_space<vmem_shared>>)
        tpu.yield
      }) : () -> ()
      "tpu.region"() ({
        %run_scoped3A_72 = tpu.sem_alloc : memref<!tpu.dma_semaphore, #tpu.memory_space<semaphore_mem>>
        %dma_start3A_73 = arith.constant 0 : i32
        %dma_start3A_74 = tpu.memref_slice %arg11[%add3A_41, %dma_start3A_73] : memref<80x128xi32, #tpu.memory_space<vmem>> -> memref<1x128xi32, #tpu.memory_space<vmem>>
        %dma_start3A_75 = tpu.memref_squeeze %dma_start3A_74 : memref<1x128xi32, #tpu.memory_space<vmem>> -> memref<128xi32, #tpu.memory_space<vmem>>
        %dma_start3A_76 = arith.constant 0 : i32
        %dma_start3A_77 = arith.constant 0 : i32
        %dma_start3A_78 = tpu.memref_slice %arg16[%dma_start3A_76, %dma_start3A_77] : memref<10240x16xf32, #tpu.memory_space<vmem_shared>> -> memref<10240x16xf32, #tpu.memory_space<vmem_shared>>
        tpu.enqueue_indirect_dma source(%arg14 : memref<128x16xf32, #tpu.memory_space<vmem>>) target(%dma_start3A_78 : memref<10240x16xf32, #tpu.memory_space<vmem_shared>>) offsets(%dma_start3A_75 : memref<128xi32, #tpu.memory_space<vmem>>) semaphore(%run_scoped3A_72 : memref<!tpu.dma_semaphore, #tpu.memory_space<semaphore_mem>>) {add = true}
        %dma_wait3A_79 = arith.constant 0 : i32
        %dma_wait3A_80 = tpu.memref_slice %arg11[%add3A_41, %dma_wait3A_79] : memref<80x128xi32, #tpu.memory_space<vmem>> -> memref<1x128xi32, #tpu.memory_space<vmem>>
        %dma_wait3A_81 = tpu.memref_squeeze %dma_wait3A_80 : memref<1x128xi32, #tpu.memory_space<vmem>> -> memref<128xi32, #tpu.memory_space<vmem>>
        %dma_wait3A_82 = arith.constant 0 : i32
        %dma_wait3A_83 = arith.constant 0 : i32
        %dma_wait3A_84 = tpu.memref_slice %arg16[%dma_wait3A_82, %dma_wait3A_83] : memref<10240x16xf32, #tpu.memory_space<vmem_shared>> -> memref<10240x16xf32, #tpu.memory_space<vmem_shared>>
        tpu.wait_indirect_dma semaphore(%run_scoped3A_72 : memref<!tpu.dma_semaphore, #tpu.memory_space<semaphore_mem>>) src(%arg14 : memref<128x16xf32, #tpu.memory_space<vmem>>) dst(%dma_wait3A_84 : memref<10240x16xf32, #tpu.memory_space<vmem_shared>>)
        tpu.yield
      }) : () -> ()
      %add3A_56 = arith.constant 2 : i32
      %add3A_57 = arith.addi %add3A_41, %add3A_56 : i32
      %dma_start3A_58 = arith.constant 0 : i32
      %dma_start3A_59 = tpu.memref_slice %arg10[%add3A_57, %dma_start3A_58] : memref<80x128xi32, #tpu.memory_space<vmem>> -> memref<1x128xi32, #tpu.memory_space<vmem>>
      %dma_start3A_60 = tpu.memref_squeeze %dma_start3A_59 : memref<1x128xi32, #tpu.memory_space<vmem>> -> memref<128xi32, #tpu.memory_space<vmem>>
      %dma_start3A_61 = arith.constant 0 : i32
      %dma_start3A_62 = arith.constant 0 : i32
      %dma_start3A_63 = tpu.memref_slice %arg2[%dma_start3A_61, %dma_start3A_62] : memref<10000x128xbf16, #tpu.memory_space<hbm>> -> memref<10000x128xbf16, #tpu.memory_space<hbm>>
      tpu.enqueue_indirect_dma source(%dma_start3A_63 : memref<10000x128xbf16, #tpu.memory_space<hbm>>) target(%arg12 : memref<128x128xbf16, #tpu.memory_space<vmem>>) offsets(%dma_start3A_60 : memref<128xi32, #tpu.memory_space<vmem>>) semaphore(%arg17 : memref<!tpu.dma_semaphore, #tpu.memory_space<semaphore_mem>>)
      %add3A_64 = arith.constant 1 : i32
      %add3A_65 = arith.addi %add3A_41, %add3A_64 : i32
      %dma_wait3A_66 = arith.constant 0 : i32
      %dma_wait3A_67 = tpu.memref_slice %arg10[%add3A_65, %dma_wait3A_66] : memref<80x128xi32, #tpu.memory_space<vmem>> -> memref<1x128xi32, #tpu.memory_space<vmem>>
      %dma_wait3A_68 = tpu.memref_squeeze %dma_wait3A_67 : memref<1x128xi32, #tpu.memory_space<vmem>> -> memref<128xi32, #tpu.memory_space<vmem>>
      %dma_wait3A_69 = arith.constant 0 : i32
      %dma_wait3A_70 = arith.constant 0 : i32
      %dma_wait3A_71 = tpu.memref_slice %arg2[%dma_wait3A_69, %dma_wait3A_70] : memref<10000x128xbf16, #tpu.memory_space<hbm>> -> memref<10000x128xbf16, #tpu.memory_space<hbm>>
      tpu.wait_indirect_dma semaphore(%arg18 : memref<!tpu.dma_semaphore, #tpu.memory_space<semaphore_mem>>) src(%dma_wait3A_71 : memref<10000x128xbf16, #tpu.memory_space<hbm>>) dst(%arg13 : memref<128x128xbf16, #tpu.memory_space<vmem>>)
      "tpu.region"() ({
        %run_scoped3A_72 = tpu.sem_alloc : memref<!tpu.dma_semaphore, #tpu.memory_space<semaphore_mem>>
        %dma_start3A_73 = arith.constant 0 : i32
        %dma_start3A_74 = tpu.memref_slice %arg11[%add3A_65, %dma_start3A_73] : memref<80x128xi32, #tpu.memory_space<vmem>> -> memref<1x128xi32, #tpu.memory_space<vmem>>
        %dma_start3A_75 = tpu.memref_squeeze %dma_start3A_74 : memref<1x128xi32, #tpu.memory_space<vmem>> -> memref<128xi32, #tpu.memory_space<vmem>>
        %dma_start3A_76 = arith.constant 0 : i32
        %dma_start3A_77 = arith.constant 0 : i32
        %dma_start3A_78 = tpu.memref_slice %arg15[%dma_start3A_76, %dma_start3A_77] : memref<10240x128xbf16, #tpu.memory_space<vmem_shared>> -> memref<10240x128xbf16, #tpu.memory_space<vmem_shared>>
        tpu.enqueue_indirect_dma source(%arg13 : memref<128x128xbf16, #tpu.memory_space<vmem>>) target(%dma_start3A_78 : memref<10240x128xbf16, #tpu.memory_space<vmem_shared>>) offsets(%dma_start3A_75 : memref<128xi32, #tpu.memory_space<vmem>>) semaphore(%run_scoped3A_72 : memref<!tpu.dma_semaphore, #tpu.memory_space<semaphore_mem>>) {add = true}
        %dma_wait3A_79 = arith.constant 0 : i32
        %dma_wait3A_80 = tpu.memref_slice %arg11[%add3A_65, %dma_wait3A_79] : memref<80x128xi32, #tpu.memory_space<vmem>> -> memref<1x128xi32, #tpu.memory_space<vmem>>
        %dma_wait3A_81 = tpu.memref_squeeze %dma_wait3A_80 : memref<1x128xi32, #tpu.memory_space<vmem>> -> memref<128xi32, #tpu.memory_space<vmem>>
        %dma_wait3A_82 = arith.constant 0 : i32
        %dma_wait3A_83 = arith.constant 0 : i32
        %dma_wait3A_84 = tpu.memref_slice %arg15[%dma_wait3A_82, %dma_wait3A_83] : memref<10240x128xbf16, #tpu.memory_space<vmem_shared>> -> memref<10240x128xbf16, #tpu.memory_space<vmem_shared>>
        tpu.wait_indirect_dma semaphore(%run_scoped3A_72 : memref<!tpu.dma_semaphore, #tpu.memory_space<semaphore_mem>>) src(%arg13 : memref<128x128xbf16, #tpu.memory_space<vmem>>) dst(%dma_wait3A_84 : memref<10240x128xbf16, #tpu.memory_space<vmem_shared>>)
        tpu.yield
      }) : () -> ()
      "tpu.region"() ({
        %run_scoped3A_72 = tpu.sem_alloc : memref<!tpu.dma_semaphore, #tpu.memory_space<semaphore_mem>>
        %dma_start3A_73 = arith.constant 0 : i32
        %dma_start3A_74 = tpu.memref_slice %arg11[%add3A_65, %dma_start3A_73] : memref<80x128xi32, #tpu.memory_space<vmem>> -> memref<1x128xi32, #tpu.memory_space<vmem>>
        %dma_start3A_75 = tpu.memref_squeeze %dma_start3A_74 : memref<1x128xi32, #tpu.memory_space<vmem>> -> memref<128xi32, #tpu.memory_space<vmem>>
        %dma_start3A_76 = arith.constant 0 : i32
        %dma_start3A_77 = arith.constant 0 : i32
        %dma_start3A_78 = tpu.memref_slice %arg16[%dma_start3A_76, %dma_start3A_77] : memref<10240x16xf32, #tpu.memory_space<vmem_shared>> -> memref<10240x16xf32, #tpu.memory_space<vmem_shared>>
        tpu.enqueue_indirect_dma source(%arg14 : memref<128x16xf32, #tpu.memory_space<vmem>>) target(%dma_start3A_78 : memref<10240x16xf32, #tpu.memory_space<vmem_shared>>) offsets(%dma_start3A_75 : memref<128xi32, #tpu.memory_space<vmem>>) semaphore(%run_scoped3A_72 : memref<!tpu.dma_semaphore, #tpu.memory_space<semaphore_mem>>) {add = true}
        %dma_wait3A_79 = arith.constant 0 : i32
        %dma_wait3A_80 = tpu.memref_slice %arg11[%add3A_65, %dma_wait3A_79] : memref<80x128xi32, #tpu.memory_space<vmem>> -> memref<1x128xi32, #tpu.memory_space<vmem>>
        %dma_wait3A_81 = tpu.memref_squeeze %dma_wait3A_80 : memref<1x128xi32, #tpu.memory_space<vmem>> -> memref<128xi32, #tpu.memory_space<vmem>>
        %dma_wait3A_82 = arith.constant 0 : i32
        %dma_wait3A_83 = arith.constant 0 : i32
        %dma_wait3A_84 = tpu.memref_slice %arg16[%dma_wait3A_82, %dma_wait3A_83] : memref<10240x16xf32, #tpu.memory_space<vmem_shared>> -> memref<10240x16xf32, #tpu.memory_space<vmem_shared>>
        tpu.wait_indirect_dma semaphore(%run_scoped3A_72 : memref<!tpu.dma_semaphore, #tpu.memory_space<semaphore_mem>>) src(%arg14 : memref<128x16xf32, #tpu.memory_space<vmem>>) dst(%dma_wait3A_84 : memref<10240x16xf32, #tpu.memory_space<vmem_shared>>)
        tpu.yield
      }) : () -> ()
    }
    %scan3A_12 = arith.constant 39 : i32
    %dma_start3A_13 = arith.constant 79 : i32
    %dma_start3A_14 = arith.constant 0 : i32
    %dma_start3A_15 = tpu.memref_slice %arg10[%dma_start3A_13, %dma_start3A_14] : memref<80x128xi32, #tpu.memory_space<vmem>> -> memref<1x128xi32, #tpu.memory_space<vmem>>
    %dma_start3A_16 = tpu.memref_squeeze %dma_start3A_15 : memref<1x128xi32, #tpu.memory_space<vmem>> -> memref<128xi32, #tpu.memory_space<vmem>>
    %dma_start3A_17 = arith.constant 0 : i32
    %dma_start3A_18 = arith.constant 0 : i32
    %dma_start3A_19 = tpu.memref_slice %arg2[%dma_start3A_17, %dma_start3A_18] : memref<10000x128xbf16, #tpu.memory_space<hbm>> -> memref<10000x128xbf16, #tpu.memory_space<hbm>>
    tpu.enqueue_indirect_dma source(%dma_start3A_19 : memref<10000x128xbf16, #tpu.memory_space<hbm>>) target(%arg13 : memref<128x128xbf16, #tpu.memory_space<vmem>>) offsets(%dma_start3A_16 : memref<128xi32, #tpu.memory_space<vmem>>) semaphore(%arg18 : memref<!tpu.dma_semaphore, #tpu.memory_space<semaphore_mem>>)
    %dma_wait3A = arith.constant 78 : i32
    %dma_wait3A_20 = arith.constant 0 : i32
    %dma_wait3A_21 = tpu.memref_slice %arg10[%dma_wait3A, %dma_wait3A_20] : memref<80x128xi32, #tpu.memory_space<vmem>> -> memref<1x128xi32, #tpu.memory_space<vmem>>
    %dma_wait3A_22 = tpu.memref_squeeze %dma_wait3A_21 : memref<1x128xi32, #tpu.memory_space<vmem>> -> memref<128xi32, #tpu.memory_space<vmem>>
    %dma_wait3A_23 = arith.constant 0 : i32
    %dma_wait3A_24 = arith.constant 0 : i32
    %dma_wait3A_25 = tpu.memref_slice %arg2[%dma_wait3A_23, %dma_wait3A_24] : memref<10000x128xbf16, #tpu.memory_space<hbm>> -> memref<10000x128xbf16, #tpu.memory_space<hbm>>
    tpu.wait_indirect_dma semaphore(%arg17 : memref<!tpu.dma_semaphore, #tpu.memory_space<semaphore_mem>>) src(%dma_wait3A_25 : memref<10000x128xbf16, #tpu.memory_space<hbm>>) dst(%arg12 : memref<128x128xbf16, #tpu.memory_space<vmem>>)
    %run_scoped3A = arith.constant 78 : i32
    "tpu.region"() ({
      %run_scoped3A_37 = tpu.sem_alloc : memref<!tpu.dma_semaphore, #tpu.memory_space<semaphore_mem>>
      %dma_start3A_38 = arith.constant 0 : i32
      %dma_start3A_39 = tpu.memref_slice %arg11[%run_scoped3A, %dma_start3A_38] : memref<80x128xi32, #tpu.memory_space<vmem>> -> memref<1x128xi32, #tpu.memory_space<vmem>>
      %dma_start3A_40 = tpu.memref_squeeze %dma_start3A_39 : memref<1x128xi32, #tpu.memory_space<vmem>> -> memref<128xi32, #tpu.memory_space<vmem>>
      %dma_start3A_41 = arith.constant 0 : i32
      %dma_start3A_42 = arith.constant 0 : i32
      %dma_start3A_43 = tpu.memref_slice %arg15[%dma_start3A_41, %dma_start3A_42] : memref<10240x128xbf16, #tpu.memory_space<vmem_shared>> -> memref<10240x128xbf16, #tpu.memory_space<vmem_shared>>
      tpu.enqueue_indirect_dma source(%arg12 : memref<128x128xbf16, #tpu.memory_space<vmem>>) target(%dma_start3A_43 : memref<10240x128xbf16, #tpu.memory_space<vmem_shared>>) offsets(%dma_start3A_40 : memref<128xi32, #tpu.memory_space<vmem>>) semaphore(%run_scoped3A_37 : memref<!tpu.dma_semaphore, #tpu.memory_space<semaphore_mem>>) {add = true}
      %dma_wait3A_44 = arith.constant 0 : i32
      %dma_wait3A_45 = tpu.memref_slice %arg11[%run_scoped3A, %dma_wait3A_44] : memref<80x128xi32, #tpu.memory_space<vmem>> -> memref<1x128xi32, #tpu.memory_space<vmem>>
      %dma_wait3A_46 = tpu.memref_squeeze %dma_wait3A_45 : memref<1x128xi32, #tpu.memory_space<vmem>> -> memref<128xi32, #tpu.memory_space<vmem>>
      %dma_wait3A_47 = arith.constant 0 : i32
      %dma_wait3A_48 = arith.constant 0 : i32
      %dma_wait3A_49 = tpu.memref_slice %arg15[%dma_wait3A_47, %dma_wait3A_48] : memref<10240x128xbf16, #tpu.memory_space<vmem_shared>> -> memref<10240x128xbf16, #tpu.memory_space<vmem_shared>>
      tpu.wait_indirect_dma semaphore(%run_scoped3A_37 : memref<!tpu.dma_semaphore, #tpu.memory_space<semaphore_mem>>) src(%arg12 : memref<128x128xbf16, #tpu.memory_space<vmem>>) dst(%dma_wait3A_49 : memref<10240x128xbf16, #tpu.memory_space<vmem_shared>>)
      tpu.yield
    }) : () -> ()
    %run_scoped3A_26 = arith.constant 78 : i32
    "tpu.region"() ({
      %run_scoped3A_37 = tpu.sem_alloc : memref<!tpu.dma_semaphore, #tpu.memory_space<semaphore_mem>>
      %dma_start3A_38 = arith.constant 0 : i32
      %dma_start3A_39 = tpu.memref_slice %arg11[%run_scoped3A_26, %dma_start3A_38] : memref<80x128xi32, #tpu.memory_space<vmem>> -> memref<1x128xi32, #tpu.memory_space<vmem>>
      %dma_start3A_40 = tpu.memref_squeeze %dma_start3A_39 : memref<1x128xi32, #tpu.memory_space<vmem>> -> memref<128xi32, #tpu.memory_space<vmem>>
      %dma_start3A_41 = arith.constant 0 : i32
      %dma_start3A_42 = arith.constant 0 : i32
      %dma_start3A_43 = tpu.memref_slice %arg16[%dma_start3A_41, %dma_start3A_42] : memref<10240x16xf32, #tpu.memory_space<vmem_shared>> -> memref<10240x16xf32, #tpu.memory_space<vmem_shared>>
      tpu.enqueue_indirect_dma source(%arg14 : memref<128x16xf32, #tpu.memory_space<vmem>>) target(%dma_start3A_43 : memref<10240x16xf32, #tpu.memory_space<vmem_shared>>) offsets(%dma_start3A_40 : memref<128xi32, #tpu.memory_space<vmem>>) semaphore(%run_scoped3A_37 : memref<!tpu.dma_semaphore, #tpu.memory_space<semaphore_mem>>) {add = true}
      %dma_wait3A_44 = arith.constant 0 : i32
      %dma_wait3A_45 = tpu.memref_slice %arg11[%run_scoped3A_26, %dma_wait3A_44] : memref<80x128xi32, #tpu.memory_space<vmem>> -> memref<1x128xi32, #tpu.memory_space<vmem>>
      %dma_wait3A_46 = tpu.memref_squeeze %dma_wait3A_45 : memref<1x128xi32, #tpu.memory_space<vmem>> -> memref<128xi32, #tpu.memory_space<vmem>>
      %dma_wait3A_47 = arith.constant 0 : i32
      %dma_wait3A_48 = arith.constant 0 : i32
      %dma_wait3A_49 = tpu.memref_slice %arg16[%dma_wait3A_47, %dma_wait3A_48] : memref<10240x16xf32, #tpu.memory_space<vmem_shared>> -> memref<10240x16xf32, #tpu.memory_space<vmem_shared>>
      tpu.wait_indirect_dma semaphore(%run_scoped3A_37 : memref<!tpu.dma_semaphore, #tpu.memory_space<semaphore_mem>>) src(%arg14 : memref<128x16xf32, #tpu.memory_space<vmem>>) dst(%dma_wait3A_49 : memref<10240x16xf32, #tpu.memory_space<vmem_shared>>)
      tpu.yield
    }) : () -> ()
    %dma_wait3A_27 = arith.constant 79 : i32
    %dma_wait3A_28 = arith.constant 0 : i32
    %dma_wait3A_29 = tpu.memref_slice %arg10[%dma_wait3A_27, %dma_wait3A_28] : memref<80x128xi32, #tpu.memory_space<vmem>> -> memref<1x128xi32, #tpu.memory_space<vmem>>
    %dma_wait3A_30 = tpu.memref_squeeze %dma_wait3A_29 : memref<1x128xi32, #tpu.memory_space<vmem>> -> memref<128xi32, #tpu.memory_space<vmem>>
    %dma_wait3A_31 = arith.constant 0 : i32
    %dma_wait3A_32 = arith.constant 0 : i32
    %dma_wait3A_33 = tpu.memref_slice %arg2[%dma_wait3A_31, %dma_wait3A_32] : memref<10000x128xbf16, #tpu.memory_space<hbm>> -> memref<10000x128xbf16, #tpu.memory_space<hbm>>
    tpu.wait_indirect_dma semaphore(%arg18 : memref<!tpu.dma_semaphore, #tpu.memory_space<semaphore_mem>>) src(%dma_wait3A_33 : memref<10000x128xbf16, #tpu.memory_space<hbm>>) dst(%arg13 : memref<128x128xbf16, #tpu.memory_space<vmem>>)
    %run_scoped3A_34 = arith.constant 79 : i32
    "tpu.region"() ({
      %run_scoped3A_37 = tpu.sem_alloc : memref<!tpu.dma_semaphore, #tpu.memory_space<semaphore_mem>>
      %dma_start3A_38 = arith.constant 0 : i32
      %dma_start3A_39 = tpu.memref_slice %arg11[%run_scoped3A_34, %dma_start3A_38] : memref<80x128xi32, #tpu.memory_space<vmem>> -> memref<1x128xi32, #tpu.memory_space<vmem>>
      %dma_start3A_40 = tpu.memref_squeeze %dma_start3A_39 : memref<1x128xi32, #tpu.memory_space<vmem>> -> memref<128xi32, #tpu.memory_space<vmem>>
      %dma_start3A_41 = arith.constant 0 : i32
      %dma_start3A_42 = arith.constant 0 : i32
      %dma_start3A_43 = tpu.memref_slice %arg15[%dma_start3A_41, %dma_start3A_42] : memref<10240x128xbf16, #tpu.memory_space<vmem_shared>> -> memref<10240x128xbf16, #tpu.memory_space<vmem_shared>>
      tpu.enqueue_indirect_dma source(%arg13 : memref<128x128xbf16, #tpu.memory_space<vmem>>) target(%dma_start3A_43 : memref<10240x128xbf16, #tpu.memory_space<vmem_shared>>) offsets(%dma_start3A_40 : memref<128xi32, #tpu.memory_space<vmem>>) semaphore(%run_scoped3A_37 : memref<!tpu.dma_semaphore, #tpu.memory_space<semaphore_mem>>) {add = true}
      %dma_wait3A_44 = arith.constant 0 : i32
      %dma_wait3A_45 = tpu.memref_slice %arg11[%run_scoped3A_34, %dma_wait3A_44] : memref<80x128xi32, #tpu.memory_space<vmem>> -> memref<1x128xi32, #tpu.memory_space<vmem>>
      %dma_wait3A_46 = tpu.memref_squeeze %dma_wait3A_45 : memref<1x128xi32, #tpu.memory_space<vmem>> -> memref<128xi32, #tpu.memory_space<vmem>>
      %dma_wait3A_47 = arith.constant 0 : i32
      %dma_wait3A_48 = arith.constant 0 : i32
      %dma_wait3A_49 = tpu.memref_slice %arg15[%dma_wait3A_47, %dma_wait3A_48] : memref<10240x128xbf16, #tpu.memory_space<vmem_shared>> -> memref<10240x128xbf16, #tpu.memory_space<vmem_shared>>
      tpu.wait_indirect_dma semaphore(%run_scoped3A_37 : memref<!tpu.dma_semaphore, #tpu.memory_space<semaphore_mem>>) src(%arg13 : memref<128x128xbf16, #tpu.memory_space<vmem>>) dst(%dma_wait3A_49 : memref<10240x128xbf16, #tpu.memory_space<vmem_shared>>)
      tpu.yield
    }) : () -> ()
    %run_scoped3A_35 = arith.constant 79 : i32
    "tpu.region"() ({
      %run_scoped3A_37 = tpu.sem_alloc : memref<!tpu.dma_semaphore, #tpu.memory_space<semaphore_mem>>
      %dma_start3A_38 = arith.constant 0 : i32
      %dma_start3A_39 = tpu.memref_slice %arg11[%run_scoped3A_35, %dma_start3A_38] : memref<80x128xi32, #tpu.memory_space<vmem>> -> memref<1x128xi32, #tpu.memory_space<vmem>>
      %dma_start3A_40 = tpu.memref_squeeze %dma_start3A_39 : memref<1x128xi32, #tpu.memory_space<vmem>> -> memref<128xi32, #tpu.memory_space<vmem>>
      %dma_start3A_41 = arith.constant 0 : i32
      %dma_start3A_42 = arith.constant 0 : i32
      %dma_start3A_43 = tpu.memref_slice %arg16[%dma_start3A_41, %dma_start3A_42] : memref<10240x16xf32, #tpu.memory_space<vmem_shared>> -> memref<10240x16xf32, #tpu.memory_space<vmem_shared>>
      tpu.enqueue_indirect_dma source(%arg14 : memref<128x16xf32, #tpu.memory_space<vmem>>) target(%dma_start3A_43 : memref<10240x16xf32, #tpu.memory_space<vmem_shared>>) offsets(%dma_start3A_40 : memref<128xi32, #tpu.memory_space<vmem>>) semaphore(%run_scoped3A_37 : memref<!tpu.dma_semaphore, #tpu.memory_space<semaphore_mem>>) {add = true}
      %dma_wait3A_44 = arith.constant 0 : i32
      %dma_wait3A_45 = tpu.memref_slice %arg11[%run_scoped3A_35, %dma_wait3A_44] : memref<80x128xi32, #tpu.memory_space<vmem>> -> memref<1x128xi32, #tpu.memory_space<vmem>>
      %dma_wait3A_46 = tpu.memref_squeeze %dma_wait3A_45 : memref<1x128xi32, #tpu.memory_space<vmem>> -> memref<128xi32, #tpu.memory_space<vmem>>
      %dma_wait3A_47 = arith.constant 0 : i32
      %dma_wait3A_48 = arith.constant 0 : i32
      %dma_wait3A_49 = tpu.memref_slice %arg16[%dma_wait3A_47, %dma_wait3A_48] : memref<10240x16xf32, #tpu.memory_space<vmem_shared>> -> memref<10240x16xf32, #tpu.memory_space<vmem_shared>>
      tpu.wait_indirect_dma semaphore(%run_scoped3A_37 : memref<!tpu.dma_semaphore, #tpu.memory_space<semaphore_mem>>) src(%arg14 : memref<128x16xf32, #tpu.memory_space<vmem>>) dst(%dma_wait3A_49 : memref<10240x16xf32, #tpu.memory_space<vmem_shared>>)
      tpu.yield
    }) : () -> ()
    %barrier3A_36 = arith.constant 0 : index
    tpu.barrier barrier_id(%barrier3A_36)
    "tpu.region"() ({
      %run_scoped3A_37 = tpu.sem_alloc : memref<!tpu.dma_semaphore, #tpu.memory_space<semaphore_mem>>
      %dma_start3A_38 = arith.constant 0 : i32
      %dma_start3A_39 = tpu.memref_slice %arg8[%arg0, %mul3A_2, %dma_start3A_38] : memref<2x10240x128xbf16, #tpu.memory_space<hbm>> -> memref<1x640x128xbf16, #tpu.memory_space<hbm>>
      %dma_start3A_40 = tpu.memref_squeeze %dma_start3A_39 : memref<1x640x128xbf16, #tpu.memory_space<hbm>> -> memref<640x128xbf16, #tpu.memory_space<hbm>>
      %dma_start3A_41 = arith.constant 0 : i32
      %dma_start3A_42 = tpu.memref_slice %arg15[%mul3A_2, %dma_start3A_41] : memref<10240x128xbf16, #tpu.memory_space<vmem_shared>> -> memref<640x128xbf16, #tpu.memory_space<vmem_shared>>
      tpu.enqueue_dma source(%dma_start3A_42 : memref<640x128xbf16, #tpu.memory_space<vmem_shared>>) target(%dma_start3A_40 : memref<640x128xbf16, #tpu.memory_space<hbm>>) target_semaphore(%run_scoped3A_37 : memref<!tpu.dma_semaphore, #tpu.memory_space<semaphore_mem>>)
      %dma_wait3A_43 = arith.constant 0 : i32
      %dma_wait3A_44 = tpu.memref_slice %arg8[%arg0, %mul3A_2, %dma_wait3A_43] : memref<2x10240x128xbf16, #tpu.memory_space<hbm>> -> memref<1x640x128xbf16, #tpu.memory_space<hbm>>
      %dma_wait3A_45 = tpu.memref_squeeze %dma_wait3A_44 : memref<1x640x128xbf16, #tpu.memory_space<hbm>> -> memref<640x128xbf16, #tpu.memory_space<hbm>>
      %dma_wait3A_46 = arith.constant 0 : i32
      %dma_wait3A_47 = tpu.memref_slice %arg15[%mul3A_2, %dma_wait3A_46] : memref<10240x128xbf16, #tpu.memory_space<vmem_shared>> -> memref<640x128xbf16, #tpu.memory_space<vmem_shared>>
      tpu.wait_dma2 semaphore(%run_scoped3A_37 : memref<!tpu.dma_semaphore, #tpu.memory_space<semaphore_mem>>) src(%dma_wait3A_47 : memref<640x128xbf16, #tpu.memory_space<vmem_shared>>) dst(%dma_wait3A_45 : memref<640x128xbf16, #tpu.memory_space<hbm>>)
      tpu.yield
    }) : () -> ()
    "tpu.region"() ({
      %run_scoped3A_37 = tpu.sem_alloc : memref<!tpu.dma_semaphore, #tpu.memory_space<semaphore_mem>>
      %dma_start3A_38 = arith.constant 0 : i32
      %dma_start3A_39 = tpu.memref_slice %arg9[%arg0, %mul3A_2, %dma_start3A_38] : memref<2x10240x16xf32, #tpu.memory_space<hbm>> -> memref<1x640x16xf32, #tpu.memory_space<hbm>>
      %dma_start3A_40 = tpu.memref_squeeze %dma_start3A_39 : memref<1x640x16xf32, #tpu.memory_space<hbm>> -> memref<640x16xf32, #tpu.memory_space<hbm>>
      %dma_start3A_41 = arith.constant 0 : i32
      %dma_start3A_42 = tpu.memref_slice %arg16[%mul3A_2, %dma_start3A_41] : memref<10240x16xf32, #tpu.memory_space<vmem_shared>> -> memref<640x16xf32, #tpu.memory_space<vmem_shared>>
      tpu.enqueue_dma source(%dma_start3A_42 : memref<640x16xf32, #tpu.memory_space<vmem_shared>>) target(%dma_start3A_40 : memref<640x16xf32, #tpu.memory_space<hbm>>) target_semaphore(%run_scoped3A_37 : memref<!tpu.dma_semaphore, #tpu.memory_space<semaphore_mem>>)
      %dma_wait3A_43 = arith.constant 0 : i32
      %dma_wait3A_44 = tpu.memref_slice %arg9[%arg0, %mul3A_2, %dma_wait3A_43] : memref<2x10240x16xf32, #tpu.memory_space<hbm>> -> memref<1x640x16xf32, #tpu.memory_space<hbm>>
      %dma_wait3A_45 = tpu.memref_squeeze %dma_wait3A_44 : memref<1x640x16xf32, #tpu.memory_space<hbm>> -> memref<640x16xf32, #tpu.memory_space<hbm>>
      %dma_wait3A_46 = arith.constant 0 : i32
      %dma_wait3A_47 = tpu.memref_slice %arg16[%mul3A_2, %dma_wait3A_46] : memref<10240x16xf32, #tpu.memory_space<vmem_shared>> -> memref<640x16xf32, #tpu.memory_space<vmem_shared>>
      tpu.wait_dma2 semaphore(%run_scoped3A_37 : memref<!tpu.dma_semaphore, #tpu.memory_space<semaphore_mem>>) src(%dma_wait3A_47 : memref<640x16xf32, #tpu.memory_space<vmem_shared>>) dst(%dma_wait3A_45 : memref<640x16xf32, #tpu.memory_space<hbm>>)
      tpu.yield
    }) : () -> ()
    return
  }
}

#map = affine_map<(d0, d1) -> (0, 0)>
#map1 = affine_map<(d0, d1) -> (0, 0, 0)>
module attributes {stable_mosaic.version = 14 : i64} {
  func.func @_seg_body(%arg0: i32, %arg1: i32, %arg2: memref<10000x128xbf16, #tpu.memory_space<hbm>>, %arg3: memref<32x80x128xi32, #tpu.memory_space<hbm>>, %arg4: memref<32x80x128xi32, #tpu.memory_space<hbm>>, %arg5: memref<128x16xf32, #tpu.memory_space<hbm>>, %arg6: memref<640x128xbf16, #tpu.memory_space<hbm>>, %arg7: memref<640x16xf32, #tpu.memory_space<hbm>>, %arg8: memref<2x10240x128xbf16, #tpu.memory_space<hbm>>, %arg9: memref<80x128xi32, #tpu.memory_space<vmem>>, %arg10: memref<80x128xi32, #tpu.memory_space<vmem>>, %arg11: memref<128x128xbf16, #tpu.memory_space<vmem>>, %arg12: memref<128x128xbf16, #tpu.memory_space<vmem>>, %arg13: memref<10240x128xbf16, #tpu.memory_space<vmem_shared>>, %arg14: memref<!tpu.dma_semaphore, #tpu.memory_space<semaphore_mem>>, %arg15: memref<!tpu.dma_semaphore, #tpu.memory_space<semaphore_mem>>) attributes {dimension_semantics = [#tpu.dimension_semantics<core_parallel>, #tpu.dimension_semantics<subcore_parallel>], iteration_bounds = array<i64: 2, 16>, scalar_prefetch = 0 : i64, scratch_operands = 7 : i64, tpu.core_type = #tpu.core_type<sc_vector_subcore>, window_params = [{transform_indices = #map}, {transform_indices = #map1}, {transform_indices = #map1}, {transform_indices = #map}, {transform_indices = #map}, {transform_indices = #map}, {transform_indices = #map1}]} {
    %mul3A = arith.constant 16 : i32
    %mul3A_0 = arith.muli %arg0, %mul3A : i32
    %add3A = arith.addi %mul3A_0, %arg1 : i32
    %mul3A_1 = arith.constant 640 : i32
    %mul3A_2 = arith.muli %arg1, %mul3A_1 : i32
    "tpu.region"() ({
      %run_scoped3A_35 = tpu.sem_alloc : memref<!tpu.dma_semaphore, #tpu.memory_space<semaphore_mem>>
      %dma_start3A_36 = arith.constant 0 : i32
      %dma_start3A_37 = arith.constant 0 : i32
      %dma_start3A_38 = tpu.memref_slice %arg3[%add3A, %dma_start3A_36, %dma_start3A_37] : memref<32x80x128xi32, #tpu.memory_space<hbm>> -> memref<1x80x128xi32, #tpu.memory_space<hbm>>
      %dma_start3A_39 = tpu.memref_squeeze %dma_start3A_38 : memref<1x80x128xi32, #tpu.memory_space<hbm>> -> memref<80x128xi32, #tpu.memory_space<hbm>>
      %dma_start3A_40 = arith.constant 0 : i32
      %dma_start3A_41 = arith.constant 0 : i32
      %dma_start3A_42 = tpu.memref_slice %arg3[%add3A, %dma_start3A_40, %dma_start3A_41] : memref<32x80x128xi32, #tpu.memory_space<hbm>> -> memref<1x80x128xi32, #tpu.memory_space<hbm>>
      %dma_start3A_43 = tpu.memref_squeeze %dma_start3A_42 : memref<1x80x128xi32, #tpu.memory_space<hbm>> -> memref<80x128xi32, #tpu.memory_space<hbm>>
      tpu.enqueue_dma source(%dma_start3A_43 : memref<80x128xi32, #tpu.memory_space<hbm>>) target(%arg9 : memref<80x128xi32, #tpu.memory_space<vmem>>) target_semaphore(%run_scoped3A_35 : memref<!tpu.dma_semaphore, #tpu.memory_space<semaphore_mem>>)
      %dma_wait3A_44 = arith.constant 0 : i32
      %dma_wait3A_45 = arith.constant 0 : i32
      %dma_wait3A_46 = tpu.memref_slice %arg3[%add3A, %dma_wait3A_44, %dma_wait3A_45] : memref<32x80x128xi32, #tpu.memory_space<hbm>> -> memref<1x80x128xi32, #tpu.memory_space<hbm>>
      %dma_wait3A_47 = tpu.memref_squeeze %dma_wait3A_46 : memref<1x80x128xi32, #tpu.memory_space<hbm>> -> memref<80x128xi32, #tpu.memory_space<hbm>>
      %dma_wait3A_48 = arith.constant 0 : i32
      %dma_wait3A_49 = arith.constant 0 : i32
      %dma_wait3A_50 = tpu.memref_slice %arg3[%add3A, %dma_wait3A_48, %dma_wait3A_49] : memref<32x80x128xi32, #tpu.memory_space<hbm>> -> memref<1x80x128xi32, #tpu.memory_space<hbm>>
      %dma_wait3A_51 = tpu.memref_squeeze %dma_wait3A_50 : memref<1x80x128xi32, #tpu.memory_space<hbm>> -> memref<80x128xi32, #tpu.memory_space<hbm>>
      tpu.wait_dma2 semaphore(%run_scoped3A_35 : memref<!tpu.dma_semaphore, #tpu.memory_space<semaphore_mem>>) src(%dma_wait3A_51 : memref<80x128xi32, #tpu.memory_space<hbm>>) dst(%arg9 : memref<80x128xi32, #tpu.memory_space<vmem>>)
      tpu.yield
    }) : () -> ()
    "tpu.region"() ({
      %run_scoped3A_35 = tpu.sem_alloc : memref<!tpu.dma_semaphore, #tpu.memory_space<semaphore_mem>>
      %dma_start3A_36 = arith.constant 0 : i32
      %dma_start3A_37 = arith.constant 0 : i32
      %dma_start3A_38 = tpu.memref_slice %arg4[%add3A, %dma_start3A_36, %dma_start3A_37] : memref<32x80x128xi32, #tpu.memory_space<hbm>> -> memref<1x80x128xi32, #tpu.memory_space<hbm>>
      %dma_start3A_39 = tpu.memref_squeeze %dma_start3A_38 : memref<1x80x128xi32, #tpu.memory_space<hbm>> -> memref<80x128xi32, #tpu.memory_space<hbm>>
      %dma_start3A_40 = arith.constant 0 : i32
      %dma_start3A_41 = arith.constant 0 : i32
      %dma_start3A_42 = tpu.memref_slice %arg4[%add3A, %dma_start3A_40, %dma_start3A_41] : memref<32x80x128xi32, #tpu.memory_space<hbm>> -> memref<1x80x128xi32, #tpu.memory_space<hbm>>
      %dma_start3A_43 = tpu.memref_squeeze %dma_start3A_42 : memref<1x80x128xi32, #tpu.memory_space<hbm>> -> memref<80x128xi32, #tpu.memory_space<hbm>>
      tpu.enqueue_dma source(%dma_start3A_43 : memref<80x128xi32, #tpu.memory_space<hbm>>) target(%arg10 : memref<80x128xi32, #tpu.memory_space<vmem>>) target_semaphore(%run_scoped3A_35 : memref<!tpu.dma_semaphore, #tpu.memory_space<semaphore_mem>>)
      %dma_wait3A_44 = arith.constant 0 : i32
      %dma_wait3A_45 = arith.constant 0 : i32
      %dma_wait3A_46 = tpu.memref_slice %arg4[%add3A, %dma_wait3A_44, %dma_wait3A_45] : memref<32x80x128xi32, #tpu.memory_space<hbm>> -> memref<1x80x128xi32, #tpu.memory_space<hbm>>
      %dma_wait3A_47 = tpu.memref_squeeze %dma_wait3A_46 : memref<1x80x128xi32, #tpu.memory_space<hbm>> -> memref<80x128xi32, #tpu.memory_space<hbm>>
      %dma_wait3A_48 = arith.constant 0 : i32
      %dma_wait3A_49 = arith.constant 0 : i32
      %dma_wait3A_50 = tpu.memref_slice %arg4[%add3A, %dma_wait3A_48, %dma_wait3A_49] : memref<32x80x128xi32, #tpu.memory_space<hbm>> -> memref<1x80x128xi32, #tpu.memory_space<hbm>>
      %dma_wait3A_51 = tpu.memref_squeeze %dma_wait3A_50 : memref<1x80x128xi32, #tpu.memory_space<hbm>> -> memref<80x128xi32, #tpu.memory_space<hbm>>
      tpu.wait_dma2 semaphore(%run_scoped3A_35 : memref<!tpu.dma_semaphore, #tpu.memory_space<semaphore_mem>>) src(%dma_wait3A_51 : memref<80x128xi32, #tpu.memory_space<hbm>>) dst(%arg10 : memref<80x128xi32, #tpu.memory_space<vmem>>)
      tpu.yield
    }) : () -> ()
    "tpu.region"() ({
      %run_scoped3A_35 = tpu.sem_alloc : memref<!tpu.dma_semaphore, #tpu.memory_space<semaphore_mem>>
      %dma_start3A_36 = arith.constant 0 : i32
      %dma_start3A_37 = tpu.memref_slice %arg13[%mul3A_2, %dma_start3A_36] : memref<10240x128xbf16, #tpu.memory_space<vmem_shared>> -> memref<640x128xbf16, #tpu.memory_space<vmem_shared>>
      tpu.enqueue_dma source(%arg6 : memref<640x128xbf16, #tpu.memory_space<hbm>>) target(%dma_start3A_37 : memref<640x128xbf16, #tpu.memory_space<vmem_shared>>) target_semaphore(%run_scoped3A_35 : memref<!tpu.dma_semaphore, #tpu.memory_space<semaphore_mem>>)
      %dma_wait3A_38 = arith.constant 0 : i32
      %dma_wait3A_39 = tpu.memref_slice %arg13[%mul3A_2, %dma_wait3A_38] : memref<10240x128xbf16, #tpu.memory_space<vmem_shared>> -> memref<640x128xbf16, #tpu.memory_space<vmem_shared>>
      tpu.wait_dma2 semaphore(%run_scoped3A_35 : memref<!tpu.dma_semaphore, #tpu.memory_space<semaphore_mem>>) src(%arg6 : memref<640x128xbf16, #tpu.memory_space<hbm>>) dst(%dma_wait3A_39 : memref<640x128xbf16, #tpu.memory_space<vmem_shared>>)
      tpu.yield
    }) : () -> ()
    %barrier3A = arith.constant 0 : index
    tpu.barrier barrier_id(%barrier3A)
    %dma_start3A = arith.constant 0 : i32
    %dma_start3A_3 = arith.constant 0 : i32
    %dma_start3A_4 = tpu.memref_slice %arg9[%dma_start3A, %dma_start3A_3] : memref<80x128xi32, #tpu.memory_space<vmem>> -> memref<1x128xi32, #tpu.memory_space<vmem>>
    %dma_start3A_5 = tpu.memref_squeeze %dma_start3A_4 : memref<1x128xi32, #tpu.memory_space<vmem>> -> memref<128xi32, #tpu.memory_space<vmem>>
    %dma_start3A_6 = arith.constant 0 : i32
    %dma_start3A_7 = arith.constant 0 : i32
    %dma_start3A_8 = tpu.memref_slice %arg2[%dma_start3A_6, %dma_start3A_7] : memref<10000x128xbf16, #tpu.memory_space<hbm>> -> memref<10000x128xbf16, #tpu.memory_space<hbm>>
    tpu.enqueue_indirect_dma source(%dma_start3A_8 : memref<10000x128xbf16, #tpu.memory_space<hbm>>) target(%arg11 : memref<128x128xbf16, #tpu.memory_space<vmem>>) offsets(%dma_start3A_5 : memref<128xi32, #tpu.memory_space<vmem>>) semaphore(%arg14 : memref<!tpu.dma_semaphore, #tpu.memory_space<semaphore_mem>>)
    %scan3A = arith.constant 0 : i32
    %scan3A_9 = arith.constant 39 : i32
    %scan3A_10 = arith.addi %scan3A, %scan3A_9 : i32
    %scan3A_11 = arith.constant 1 : i32
    scf.for %scan3A_35 = %scan3A to %scan3A_10 step %scan3A_11  : i32 {
      %mul3A_36 = arith.constant 2 : i32
      %mul3A_37 = arith.muli %scan3A_35, %mul3A_36 : i32
      %add3A_38 = arith.constant 0 : i32
      %add3A_39 = arith.addi %add3A_38, %mul3A_37 : i32
      %add3A_40 = arith.constant 1 : i32
      %add3A_41 = arith.addi %add3A_39, %add3A_40 : i32
      %dma_start3A_42 = arith.constant 0 : i32
      %dma_start3A_43 = tpu.memref_slice %arg9[%add3A_41, %dma_start3A_42] : memref<80x128xi32, #tpu.memory_space<vmem>> -> memref<1x128xi32, #tpu.memory_space<vmem>>
      %dma_start3A_44 = tpu.memref_squeeze %dma_start3A_43 : memref<1x128xi32, #tpu.memory_space<vmem>> -> memref<128xi32, #tpu.memory_space<vmem>>
      %dma_start3A_45 = arith.constant 0 : i32
      %dma_start3A_46 = arith.constant 0 : i32
      %dma_start3A_47 = tpu.memref_slice %arg2[%dma_start3A_45, %dma_start3A_46] : memref<10000x128xbf16, #tpu.memory_space<hbm>> -> memref<10000x128xbf16, #tpu.memory_space<hbm>>
      tpu.enqueue_indirect_dma source(%dma_start3A_47 : memref<10000x128xbf16, #tpu.memory_space<hbm>>) target(%arg12 : memref<128x128xbf16, #tpu.memory_space<vmem>>) offsets(%dma_start3A_44 : memref<128xi32, #tpu.memory_space<vmem>>) semaphore(%arg15 : memref<!tpu.dma_semaphore, #tpu.memory_space<semaphore_mem>>)
      %dma_wait3A_48 = arith.constant 0 : i32
      %dma_wait3A_49 = tpu.memref_slice %arg9[%add3A_39, %dma_wait3A_48] : memref<80x128xi32, #tpu.memory_space<vmem>> -> memref<1x128xi32, #tpu.memory_space<vmem>>
      %dma_wait3A_50 = tpu.memref_squeeze %dma_wait3A_49 : memref<1x128xi32, #tpu.memory_space<vmem>> -> memref<128xi32, #tpu.memory_space<vmem>>
      %dma_wait3A_51 = arith.constant 0 : i32
      %dma_wait3A_52 = arith.constant 0 : i32
      %dma_wait3A_53 = tpu.memref_slice %arg2[%dma_wait3A_51, %dma_wait3A_52] : memref<10000x128xbf16, #tpu.memory_space<hbm>> -> memref<10000x128xbf16, #tpu.memory_space<hbm>>
      tpu.wait_indirect_dma semaphore(%arg14 : memref<!tpu.dma_semaphore, #tpu.memory_space<semaphore_mem>>) src(%dma_wait3A_53 : memref<10000x128xbf16, #tpu.memory_space<hbm>>) dst(%arg11 : memref<128x128xbf16, #tpu.memory_space<vmem>>)
      "tpu.region"() ({
        %run_scoped3A_70 = tpu.sem_alloc : memref<!tpu.dma_semaphore, #tpu.memory_space<semaphore_mem>>
        %dma_start3A_71 = arith.constant 0 : i32
        %dma_start3A_72 = tpu.memref_slice %arg10[%add3A_39, %dma_start3A_71] : memref<80x128xi32, #tpu.memory_space<vmem>> -> memref<1x128xi32, #tpu.memory_space<vmem>>
        %dma_start3A_73 = tpu.memref_squeeze %dma_start3A_72 : memref<1x128xi32, #tpu.memory_space<vmem>> -> memref<128xi32, #tpu.memory_space<vmem>>
        %dma_start3A_74 = arith.constant 0 : i32
        %dma_start3A_75 = arith.constant 0 : i32
        %dma_start3A_76 = tpu.memref_slice %arg13[%dma_start3A_74, %dma_start3A_75] : memref<10240x128xbf16, #tpu.memory_space<vmem_shared>> -> memref<10240x128xbf16, #tpu.memory_space<vmem_shared>>
        tpu.enqueue_indirect_dma source(%arg11 : memref<128x128xbf16, #tpu.memory_space<vmem>>) target(%dma_start3A_76 : memref<10240x128xbf16, #tpu.memory_space<vmem_shared>>) offsets(%dma_start3A_73 : memref<128xi32, #tpu.memory_space<vmem>>) semaphore(%run_scoped3A_70 : memref<!tpu.dma_semaphore, #tpu.memory_space<semaphore_mem>>) {add = true}
        %dma_wait3A_77 = arith.constant 0 : i32
        %dma_wait3A_78 = tpu.memref_slice %arg10[%add3A_39, %dma_wait3A_77] : memref<80x128xi32, #tpu.memory_space<vmem>> -> memref<1x128xi32, #tpu.memory_space<vmem>>
        %dma_wait3A_79 = tpu.memref_squeeze %dma_wait3A_78 : memref<1x128xi32, #tpu.memory_space<vmem>> -> memref<128xi32, #tpu.memory_space<vmem>>
        %dma_wait3A_80 = arith.constant 0 : i32
        %dma_wait3A_81 = arith.constant 0 : i32
        %dma_wait3A_82 = tpu.memref_slice %arg13[%dma_wait3A_80, %dma_wait3A_81] : memref<10240x128xbf16, #tpu.memory_space<vmem_shared>> -> memref<10240x128xbf16, #tpu.memory_space<vmem_shared>>
        tpu.wait_indirect_dma semaphore(%run_scoped3A_70 : memref<!tpu.dma_semaphore, #tpu.memory_space<semaphore_mem>>) src(%arg11 : memref<128x128xbf16, #tpu.memory_space<vmem>>) dst(%dma_wait3A_82 : memref<10240x128xbf16, #tpu.memory_space<vmem_shared>>)
        tpu.yield
      }) : () -> ()
      %add3A_54 = arith.constant 2 : i32
      %add3A_55 = arith.addi %add3A_39, %add3A_54 : i32
      %dma_start3A_56 = arith.constant 0 : i32
      %dma_start3A_57 = tpu.memref_slice %arg9[%add3A_55, %dma_start3A_56] : memref<80x128xi32, #tpu.memory_space<vmem>> -> memref<1x128xi32, #tpu.memory_space<vmem>>
      %dma_start3A_58 = tpu.memref_squeeze %dma_start3A_57 : memref<1x128xi32, #tpu.memory_space<vmem>> -> memref<128xi32, #tpu.memory_space<vmem>>
      %dma_start3A_59 = arith.constant 0 : i32
      %dma_start3A_60 = arith.constant 0 : i32
      %dma_start3A_61 = tpu.memref_slice %arg2[%dma_start3A_59, %dma_start3A_60] : memref<10000x128xbf16, #tpu.memory_space<hbm>> -> memref<10000x128xbf16, #tpu.memory_space<hbm>>
      tpu.enqueue_indirect_dma source(%dma_start3A_61 : memref<10000x128xbf16, #tpu.memory_space<hbm>>) target(%arg11 : memref<128x128xbf16, #tpu.memory_space<vmem>>) offsets(%dma_start3A_58 : memref<128xi32, #tpu.memory_space<vmem>>) semaphore(%arg14 : memref<!tpu.dma_semaphore, #tpu.memory_space<semaphore_mem>>)
      %add3A_62 = arith.constant 1 : i32
      %add3A_63 = arith.addi %add3A_39, %add3A_62 : i32
      %dma_wait3A_64 = arith.constant 0 : i32
      %dma_wait3A_65 = tpu.memref_slice %arg9[%add3A_63, %dma_wait3A_64] : memref<80x128xi32, #tpu.memory_space<vmem>> -> memref<1x128xi32, #tpu.memory_space<vmem>>
      %dma_wait3A_66 = tpu.memref_squeeze %dma_wait3A_65 : memref<1x128xi32, #tpu.memory_space<vmem>> -> memref<128xi32, #tpu.memory_space<vmem>>
      %dma_wait3A_67 = arith.constant 0 : i32
      %dma_wait3A_68 = arith.constant 0 : i32
      %dma_wait3A_69 = tpu.memref_slice %arg2[%dma_wait3A_67, %dma_wait3A_68] : memref<10000x128xbf16, #tpu.memory_space<hbm>> -> memref<10000x128xbf16, #tpu.memory_space<hbm>>
      tpu.wait_indirect_dma semaphore(%arg15 : memref<!tpu.dma_semaphore, #tpu.memory_space<semaphore_mem>>) src(%dma_wait3A_69 : memref<10000x128xbf16, #tpu.memory_space<hbm>>) dst(%arg12 : memref<128x128xbf16, #tpu.memory_space<vmem>>)
      "tpu.region"() ({
        %run_scoped3A_70 = tpu.sem_alloc : memref<!tpu.dma_semaphore, #tpu.memory_space<semaphore_mem>>
        %dma_start3A_71 = arith.constant 0 : i32
        %dma_start3A_72 = tpu.memref_slice %arg10[%add3A_63, %dma_start3A_71] : memref<80x128xi32, #tpu.memory_space<vmem>> -> memref<1x128xi32, #tpu.memory_space<vmem>>
        %dma_start3A_73 = tpu.memref_squeeze %dma_start3A_72 : memref<1x128xi32, #tpu.memory_space<vmem>> -> memref<128xi32, #tpu.memory_space<vmem>>
        %dma_start3A_74 = arith.constant 0 : i32
        %dma_start3A_75 = arith.constant 0 : i32
        %dma_start3A_76 = tpu.memref_slice %arg13[%dma_start3A_74, %dma_start3A_75] : memref<10240x128xbf16, #tpu.memory_space<vmem_shared>> -> memref<10240x128xbf16, #tpu.memory_space<vmem_shared>>
        tpu.enqueue_indirect_dma source(%arg12 : memref<128x128xbf16, #tpu.memory_space<vmem>>) target(%dma_start3A_76 : memref<10240x128xbf16, #tpu.memory_space<vmem_shared>>) offsets(%dma_start3A_73 : memref<128xi32, #tpu.memory_space<vmem>>) semaphore(%run_scoped3A_70 : memref<!tpu.dma_semaphore, #tpu.memory_space<semaphore_mem>>) {add = true}
        %dma_wait3A_77 = arith.constant 0 : i32
        %dma_wait3A_78 = tpu.memref_slice %arg10[%add3A_63, %dma_wait3A_77] : memref<80x128xi32, #tpu.memory_space<vmem>> -> memref<1x128xi32, #tpu.memory_space<vmem>>
        %dma_wait3A_79 = tpu.memref_squeeze %dma_wait3A_78 : memref<1x128xi32, #tpu.memory_space<vmem>> -> memref<128xi32, #tpu.memory_space<vmem>>
        %dma_wait3A_80 = arith.constant 0 : i32
        %dma_wait3A_81 = arith.constant 0 : i32
        %dma_wait3A_82 = tpu.memref_slice %arg13[%dma_wait3A_80, %dma_wait3A_81] : memref<10240x128xbf16, #tpu.memory_space<vmem_shared>> -> memref<10240x128xbf16, #tpu.memory_space<vmem_shared>>
        tpu.wait_indirect_dma semaphore(%run_scoped3A_70 : memref<!tpu.dma_semaphore, #tpu.memory_space<semaphore_mem>>) src(%arg12 : memref<128x128xbf16, #tpu.memory_space<vmem>>) dst(%dma_wait3A_82 : memref<10240x128xbf16, #tpu.memory_space<vmem_shared>>)
        tpu.yield
      }) : () -> ()
    }
    %scan3A_12 = arith.constant 39 : i32
    %dma_start3A_13 = arith.constant 79 : i32
    %dma_start3A_14 = arith.constant 0 : i32
    %dma_start3A_15 = tpu.memref_slice %arg9[%dma_start3A_13, %dma_start3A_14] : memref<80x128xi32, #tpu.memory_space<vmem>> -> memref<1x128xi32, #tpu.memory_space<vmem>>
    %dma_start3A_16 = tpu.memref_squeeze %dma_start3A_15 : memref<1x128xi32, #tpu.memory_space<vmem>> -> memref<128xi32, #tpu.memory_space<vmem>>
    %dma_start3A_17 = arith.constant 0 : i32
    %dma_start3A_18 = arith.constant 0 : i32
    %dma_start3A_19 = tpu.memref_slice %arg2[%dma_start3A_17, %dma_start3A_18] : memref<10000x128xbf16, #tpu.memory_space<hbm>> -> memref<10000x128xbf16, #tpu.memory_space<hbm>>
    tpu.enqueue_indirect_dma source(%dma_start3A_19 : memref<10000x128xbf16, #tpu.memory_space<hbm>>) target(%arg12 : memref<128x128xbf16, #tpu.memory_space<vmem>>) offsets(%dma_start3A_16 : memref<128xi32, #tpu.memory_space<vmem>>) semaphore(%arg15 : memref<!tpu.dma_semaphore, #tpu.memory_space<semaphore_mem>>)
    %dma_wait3A = arith.constant 78 : i32
    %dma_wait3A_20 = arith.constant 0 : i32
    %dma_wait3A_21 = tpu.memref_slice %arg9[%dma_wait3A, %dma_wait3A_20] : memref<80x128xi32, #tpu.memory_space<vmem>> -> memref<1x128xi32, #tpu.memory_space<vmem>>
    %dma_wait3A_22 = tpu.memref_squeeze %dma_wait3A_21 : memref<1x128xi32, #tpu.memory_space<vmem>> -> memref<128xi32, #tpu.memory_space<vmem>>
    %dma_wait3A_23 = arith.constant 0 : i32
    %dma_wait3A_24 = arith.constant 0 : i32
    %dma_wait3A_25 = tpu.memref_slice %arg2[%dma_wait3A_23, %dma_wait3A_24] : memref<10000x128xbf16, #tpu.memory_space<hbm>> -> memref<10000x128xbf16, #tpu.memory_space<hbm>>
    tpu.wait_indirect_dma semaphore(%arg14 : memref<!tpu.dma_semaphore, #tpu.memory_space<semaphore_mem>>) src(%dma_wait3A_25 : memref<10000x128xbf16, #tpu.memory_space<hbm>>) dst(%arg11 : memref<128x128xbf16, #tpu.memory_space<vmem>>)
    %run_scoped3A = arith.constant 78 : i32
    "tpu.region"() ({
      %run_scoped3A_35 = tpu.sem_alloc : memref<!tpu.dma_semaphore, #tpu.memory_space<semaphore_mem>>
      %dma_start3A_36 = arith.constant 0 : i32
      %dma_start3A_37 = tpu.memref_slice %arg10[%run_scoped3A, %dma_start3A_36] : memref<80x128xi32, #tpu.memory_space<vmem>> -> memref<1x128xi32, #tpu.memory_space<vmem>>
      %dma_start3A_38 = tpu.memref_squeeze %dma_start3A_37 : memref<1x128xi32, #tpu.memory_space<vmem>> -> memref<128xi32, #tpu.memory_space<vmem>>
      %dma_start3A_39 = arith.constant 0 : i32
      %dma_start3A_40 = arith.constant 0 : i32
      %dma_start3A_41 = tpu.memref_slice %arg13[%dma_start3A_39, %dma_start3A_40] : memref<10240x128xbf16, #tpu.memory_space<vmem_shared>> -> memref<10240x128xbf16, #tpu.memory_space<vmem_shared>>
      tpu.enqueue_indirect_dma source(%arg11 : memref<128x128xbf16, #tpu.memory_space<vmem>>) target(%dma_start3A_41 : memref<10240x128xbf16, #tpu.memory_space<vmem_shared>>) offsets(%dma_start3A_38 : memref<128xi32, #tpu.memory_space<vmem>>) semaphore(%run_scoped3A_35 : memref<!tpu.dma_semaphore, #tpu.memory_space<semaphore_mem>>) {add = true}
      %dma_wait3A_42 = arith.constant 0 : i32
      %dma_wait3A_43 = tpu.memref_slice %arg10[%run_scoped3A, %dma_wait3A_42] : memref<80x128xi32, #tpu.memory_space<vmem>> -> memref<1x128xi32, #tpu.memory_space<vmem>>
      %dma_wait3A_44 = tpu.memref_squeeze %dma_wait3A_43 : memref<1x128xi32, #tpu.memory_space<vmem>> -> memref<128xi32, #tpu.memory_space<vmem>>
      %dma_wait3A_45 = arith.constant 0 : i32
      %dma_wait3A_46 = arith.constant 0 : i32
      %dma_wait3A_47 = tpu.memref_slice %arg13[%dma_wait3A_45, %dma_wait3A_46] : memref<10240x128xbf16, #tpu.memory_space<vmem_shared>> -> memref<10240x128xbf16, #tpu.memory_space<vmem_shared>>
      tpu.wait_indirect_dma semaphore(%run_scoped3A_35 : memref<!tpu.dma_semaphore, #tpu.memory_space<semaphore_mem>>) src(%arg11 : memref<128x128xbf16, #tpu.memory_space<vmem>>) dst(%dma_wait3A_47 : memref<10240x128xbf16, #tpu.memory_space<vmem_shared>>)
      tpu.yield
    }) : () -> ()
    %dma_wait3A_26 = arith.constant 79 : i32
    %dma_wait3A_27 = arith.constant 0 : i32
    %dma_wait3A_28 = tpu.memref_slice %arg9[%dma_wait3A_26, %dma_wait3A_27] : memref<80x128xi32, #tpu.memory_space<vmem>> -> memref<1x128xi32, #tpu.memory_space<vmem>>
    %dma_wait3A_29 = tpu.memref_squeeze %dma_wait3A_28 : memref<1x128xi32, #tpu.memory_space<vmem>> -> memref<128xi32, #tpu.memory_space<vmem>>
    %dma_wait3A_30 = arith.constant 0 : i32
    %dma_wait3A_31 = arith.constant 0 : i32
    %dma_wait3A_32 = tpu.memref_slice %arg2[%dma_wait3A_30, %dma_wait3A_31] : memref<10000x128xbf16, #tpu.memory_space<hbm>> -> memref<10000x128xbf16, #tpu.memory_space<hbm>>
    tpu.wait_indirect_dma semaphore(%arg15 : memref<!tpu.dma_semaphore, #tpu.memory_space<semaphore_mem>>) src(%dma_wait3A_32 : memref<10000x128xbf16, #tpu.memory_space<hbm>>) dst(%arg12 : memref<128x128xbf16, #tpu.memory_space<vmem>>)
    %run_scoped3A_33 = arith.constant 79 : i32
    "tpu.region"() ({
      %run_scoped3A_35 = tpu.sem_alloc : memref<!tpu.dma_semaphore, #tpu.memory_space<semaphore_mem>>
      %dma_start3A_36 = arith.constant 0 : i32
      %dma_start3A_37 = tpu.memref_slice %arg10[%run_scoped3A_33, %dma_start3A_36] : memref<80x128xi32, #tpu.memory_space<vmem>> -> memref<1x128xi32, #tpu.memory_space<vmem>>
      %dma_start3A_38 = tpu.memref_squeeze %dma_start3A_37 : memref<1x128xi32, #tpu.memory_space<vmem>> -> memref<128xi32, #tpu.memory_space<vmem>>
      %dma_start3A_39 = arith.constant 0 : i32
      %dma_start3A_40 = arith.constant 0 : i32
      %dma_start3A_41 = tpu.memref_slice %arg13[%dma_start3A_39, %dma_start3A_40] : memref<10240x128xbf16, #tpu.memory_space<vmem_shared>> -> memref<10240x128xbf16, #tpu.memory_space<vmem_shared>>
      tpu.enqueue_indirect_dma source(%arg12 : memref<128x128xbf16, #tpu.memory_space<vmem>>) target(%dma_start3A_41 : memref<10240x128xbf16, #tpu.memory_space<vmem_shared>>) offsets(%dma_start3A_38 : memref<128xi32, #tpu.memory_space<vmem>>) semaphore(%run_scoped3A_35 : memref<!tpu.dma_semaphore, #tpu.memory_space<semaphore_mem>>) {add = true}
      %dma_wait3A_42 = arith.constant 0 : i32
      %dma_wait3A_43 = tpu.memref_slice %arg10[%run_scoped3A_33, %dma_wait3A_42] : memref<80x128xi32, #tpu.memory_space<vmem>> -> memref<1x128xi32, #tpu.memory_space<vmem>>
      %dma_wait3A_44 = tpu.memref_squeeze %dma_wait3A_43 : memref<1x128xi32, #tpu.memory_space<vmem>> -> memref<128xi32, #tpu.memory_space<vmem>>
      %dma_wait3A_45 = arith.constant 0 : i32
      %dma_wait3A_46 = arith.constant 0 : i32
      %dma_wait3A_47 = tpu.memref_slice %arg13[%dma_wait3A_45, %dma_wait3A_46] : memref<10240x128xbf16, #tpu.memory_space<vmem_shared>> -> memref<10240x128xbf16, #tpu.memory_space<vmem_shared>>
      tpu.wait_indirect_dma semaphore(%run_scoped3A_35 : memref<!tpu.dma_semaphore, #tpu.memory_space<semaphore_mem>>) src(%arg12 : memref<128x128xbf16, #tpu.memory_space<vmem>>) dst(%dma_wait3A_47 : memref<10240x128xbf16, #tpu.memory_space<vmem_shared>>)
      tpu.yield
    }) : () -> ()
    %barrier3A_34 = arith.constant 0 : index
    tpu.barrier barrier_id(%barrier3A_34)
    "tpu.region"() ({
      %run_scoped3A_35 = tpu.sem_alloc : memref<!tpu.dma_semaphore, #tpu.memory_space<semaphore_mem>>
      %dma_start3A_36 = arith.constant 0 : i32
      %dma_start3A_37 = tpu.memref_slice %arg8[%arg0, %mul3A_2, %dma_start3A_36] : memref<2x10240x128xbf16, #tpu.memory_space<hbm>> -> memref<1x640x128xbf16, #tpu.memory_space<hbm>>
      %dma_start3A_38 = tpu.memref_squeeze %dma_start3A_37 : memref<1x640x128xbf16, #tpu.memory_space<hbm>> -> memref<640x128xbf16, #tpu.memory_space<hbm>>
      %dma_start3A_39 = arith.constant 0 : i32
      %dma_start3A_40 = tpu.memref_slice %arg13[%mul3A_2, %dma_start3A_39] : memref<10240x128xbf16, #tpu.memory_space<vmem_shared>> -> memref<640x128xbf16, #tpu.memory_space<vmem_shared>>
      tpu.enqueue_dma source(%dma_start3A_40 : memref<640x128xbf16, #tpu.memory_space<vmem_shared>>) target(%dma_start3A_38 : memref<640x128xbf16, #tpu.memory_space<hbm>>) target_semaphore(%run_scoped3A_35 : memref<!tpu.dma_semaphore, #tpu.memory_space<semaphore_mem>>)
      %dma_wait3A_41 = arith.constant 0 : i32
      %dma_wait3A_42 = tpu.memref_slice %arg8[%arg0, %mul3A_2, %dma_wait3A_41] : memref<2x10240x128xbf16, #tpu.memory_space<hbm>> -> memref<1x640x128xbf16, #tpu.memory_space<hbm>>
      %dma_wait3A_43 = tpu.memref_squeeze %dma_wait3A_42 : memref<1x640x128xbf16, #tpu.memory_space<hbm>> -> memref<640x128xbf16, #tpu.memory_space<hbm>>
      %dma_wait3A_44 = arith.constant 0 : i32
      %dma_wait3A_45 = tpu.memref_slice %arg13[%mul3A_2, %dma_wait3A_44] : memref<10240x128xbf16, #tpu.memory_space<vmem_shared>> -> memref<640x128xbf16, #tpu.memory_space<vmem_shared>>
      tpu.wait_dma2 semaphore(%run_scoped3A_35 : memref<!tpu.dma_semaphore, #tpu.memory_space<semaphore_mem>>) src(%dma_wait3A_45 : memref<640x128xbf16, #tpu.memory_space<vmem_shared>>) dst(%dma_wait3A_43 : memref<640x128xbf16, #tpu.memory_space<hbm>>)
      tpu.yield
    }) : () -> ()
    return
  }
}

#map = affine_map<(d0, d1) -> (0, 0)>
#map1 = affine_map<(d0, d1) -> (0, 0, 0)>
module attributes {stable_mosaic.version = 14 : i64} {
  func.func @_seg_body(%arg0: i32, %arg1: i32, %arg2: memref<10000x16xf32, #tpu.memory_space<hbm>>, %arg3: memref<32x80x128xi32, #tpu.memory_space<hbm>>, %arg4: memref<32x80x128xi32, #tpu.memory_space<hbm>>, %arg5: memref<128x16xf32, #tpu.memory_space<hbm>>, %arg6: memref<640x16xf32, #tpu.memory_space<hbm>>, %arg7: memref<640x16xf32, #tpu.memory_space<hbm>>, %arg8: memref<2x10240x16xf32, #tpu.memory_space<hbm>>, %arg9: memref<80x128xi32, #tpu.memory_space<vmem>>, %arg10: memref<80x128xi32, #tpu.memory_space<vmem>>, %arg11: memref<128x16xf32, #tpu.memory_space<vmem>>, %arg12: memref<128x16xf32, #tpu.memory_space<vmem>>, %arg13: memref<10240x16xf32, #tpu.memory_space<vmem_shared>>, %arg14: memref<!tpu.dma_semaphore, #tpu.memory_space<semaphore_mem>>, %arg15: memref<!tpu.dma_semaphore, #tpu.memory_space<semaphore_mem>>) attributes {dimension_semantics = [#tpu.dimension_semantics<core_parallel>, #tpu.dimension_semantics<subcore_parallel>], iteration_bounds = array<i64: 2, 16>, scalar_prefetch = 0 : i64, scratch_operands = 7 : i64, tpu.core_type = #tpu.core_type<sc_vector_subcore>, window_params = [{transform_indices = #map}, {transform_indices = #map1}, {transform_indices = #map1}, {transform_indices = #map}, {transform_indices = #map}, {transform_indices = #map}, {transform_indices = #map1}]} {
    %mul3A = arith.constant 16 : i32
    %mul3A_0 = arith.muli %arg0, %mul3A : i32
    %add3A = arith.addi %mul3A_0, %arg1 : i32
    %mul3A_1 = arith.constant 640 : i32
    %mul3A_2 = arith.muli %arg1, %mul3A_1 : i32
    "tpu.region"() ({
      %run_scoped3A_35 = tpu.sem_alloc : memref<!tpu.dma_semaphore, #tpu.memory_space<semaphore_mem>>
      %dma_start3A_36 = arith.constant 0 : i32
      %dma_start3A_37 = arith.constant 0 : i32
      %dma_start3A_38 = tpu.memref_slice %arg3[%add3A, %dma_start3A_36, %dma_start3A_37] : memref<32x80x128xi32, #tpu.memory_space<hbm>> -> memref<1x80x128xi32, #tpu.memory_space<hbm>>
      %dma_start3A_39 = tpu.memref_squeeze %dma_start3A_38 : memref<1x80x128xi32, #tpu.memory_space<hbm>> -> memref<80x128xi32, #tpu.memory_space<hbm>>
      %dma_start3A_40 = arith.constant 0 : i32
      %dma_start3A_41 = arith.constant 0 : i32
      %dma_start3A_42 = tpu.memref_slice %arg3[%add3A, %dma_start3A_40, %dma_start3A_41] : memref<32x80x128xi32, #tpu.memory_space<hbm>> -> memref<1x80x128xi32, #tpu.memory_space<hbm>>
      %dma_start3A_43 = tpu.memref_squeeze %dma_start3A_42 : memref<1x80x128xi32, #tpu.memory_space<hbm>> -> memref<80x128xi32, #tpu.memory_space<hbm>>
      tpu.enqueue_dma source(%dma_start3A_43 : memref<80x128xi32, #tpu.memory_space<hbm>>) target(%arg9 : memref<80x128xi32, #tpu.memory_space<vmem>>) target_semaphore(%run_scoped3A_35 : memref<!tpu.dma_semaphore, #tpu.memory_space<semaphore_mem>>)
      %dma_wait3A_44 = arith.constant 0 : i32
      %dma_wait3A_45 = arith.constant 0 : i32
      %dma_wait3A_46 = tpu.memref_slice %arg3[%add3A, %dma_wait3A_44, %dma_wait3A_45] : memref<32x80x128xi32, #tpu.memory_space<hbm>> -> memref<1x80x128xi32, #tpu.memory_space<hbm>>
      %dma_wait3A_47 = tpu.memref_squeeze %dma_wait3A_46 : memref<1x80x128xi32, #tpu.memory_space<hbm>> -> memref<80x128xi32, #tpu.memory_space<hbm>>
      %dma_wait3A_48 = arith.constant 0 : i32
      %dma_wait3A_49 = arith.constant 0 : i32
      %dma_wait3A_50 = tpu.memref_slice %arg3[%add3A, %dma_wait3A_48, %dma_wait3A_49] : memref<32x80x128xi32, #tpu.memory_space<hbm>> -> memref<1x80x128xi32, #tpu.memory_space<hbm>>
      %dma_wait3A_51 = tpu.memref_squeeze %dma_wait3A_50 : memref<1x80x128xi32, #tpu.memory_space<hbm>> -> memref<80x128xi32, #tpu.memory_space<hbm>>
      tpu.wait_dma2 semaphore(%run_scoped3A_35 : memref<!tpu.dma_semaphore, #tpu.memory_space<semaphore_mem>>) src(%dma_wait3A_51 : memref<80x128xi32, #tpu.memory_space<hbm>>) dst(%arg9 : memref<80x128xi32, #tpu.memory_space<vmem>>)
      tpu.yield
    }) : () -> ()
    "tpu.region"() ({
      %run_scoped3A_35 = tpu.sem_alloc : memref<!tpu.dma_semaphore, #tpu.memory_space<semaphore_mem>>
      %dma_start3A_36 = arith.constant 0 : i32
      %dma_start3A_37 = arith.constant 0 : i32
      %dma_start3A_38 = tpu.memref_slice %arg4[%add3A, %dma_start3A_36, %dma_start3A_37] : memref<32x80x128xi32, #tpu.memory_space<hbm>> -> memref<1x80x128xi32, #tpu.memory_space<hbm>>
      %dma_start3A_39 = tpu.memref_squeeze %dma_start3A_38 : memref<1x80x128xi32, #tpu.memory_space<hbm>> -> memref<80x128xi32, #tpu.memory_space<hbm>>
      %dma_start3A_40 = arith.constant 0 : i32
      %dma_start3A_41 = arith.constant 0 : i32
      %dma_start3A_42 = tpu.memref_slice %arg4[%add3A, %dma_start3A_40, %dma_start3A_41] : memref<32x80x128xi32, #tpu.memory_space<hbm>> -> memref<1x80x128xi32, #tpu.memory_space<hbm>>
      %dma_start3A_43 = tpu.memref_squeeze %dma_start3A_42 : memref<1x80x128xi32, #tpu.memory_space<hbm>> -> memref<80x128xi32, #tpu.memory_space<hbm>>
      tpu.enqueue_dma source(%dma_start3A_43 : memref<80x128xi32, #tpu.memory_space<hbm>>) target(%arg10 : memref<80x128xi32, #tpu.memory_space<vmem>>) target_semaphore(%run_scoped3A_35 : memref<!tpu.dma_semaphore, #tpu.memory_space<semaphore_mem>>)
      %dma_wait3A_44 = arith.constant 0 : i32
      %dma_wait3A_45 = arith.constant 0 : i32
      %dma_wait3A_46 = tpu.memref_slice %arg4[%add3A, %dma_wait3A_44, %dma_wait3A_45] : memref<32x80x128xi32, #tpu.memory_space<hbm>> -> memref<1x80x128xi32, #tpu.memory_space<hbm>>
      %dma_wait3A_47 = tpu.memref_squeeze %dma_wait3A_46 : memref<1x80x128xi32, #tpu.memory_space<hbm>> -> memref<80x128xi32, #tpu.memory_space<hbm>>
      %dma_wait3A_48 = arith.constant 0 : i32
      %dma_wait3A_49 = arith.constant 0 : i32
      %dma_wait3A_50 = tpu.memref_slice %arg4[%add3A, %dma_wait3A_48, %dma_wait3A_49] : memref<32x80x128xi32, #tpu.memory_space<hbm>> -> memref<1x80x128xi32, #tpu.memory_space<hbm>>
      %dma_wait3A_51 = tpu.memref_squeeze %dma_wait3A_50 : memref<1x80x128xi32, #tpu.memory_space<hbm>> -> memref<80x128xi32, #tpu.memory_space<hbm>>
      tpu.wait_dma2 semaphore(%run_scoped3A_35 : memref<!tpu.dma_semaphore, #tpu.memory_space<semaphore_mem>>) src(%dma_wait3A_51 : memref<80x128xi32, #tpu.memory_space<hbm>>) dst(%arg10 : memref<80x128xi32, #tpu.memory_space<vmem>>)
      tpu.yield
    }) : () -> ()
    "tpu.region"() ({
      %run_scoped3A_35 = tpu.sem_alloc : memref<!tpu.dma_semaphore, #tpu.memory_space<semaphore_mem>>
      %dma_start3A_36 = arith.constant 0 : i32
      %dma_start3A_37 = tpu.memref_slice %arg13[%mul3A_2, %dma_start3A_36] : memref<10240x16xf32, #tpu.memory_space<vmem_shared>> -> memref<640x16xf32, #tpu.memory_space<vmem_shared>>
      tpu.enqueue_dma source(%arg6 : memref<640x16xf32, #tpu.memory_space<hbm>>) target(%dma_start3A_37 : memref<640x16xf32, #tpu.memory_space<vmem_shared>>) target_semaphore(%run_scoped3A_35 : memref<!tpu.dma_semaphore, #tpu.memory_space<semaphore_mem>>)
      %dma_wait3A_38 = arith.constant 0 : i32
      %dma_wait3A_39 = tpu.memref_slice %arg13[%mul3A_2, %dma_wait3A_38] : memref<10240x16xf32, #tpu.memory_space<vmem_shared>> -> memref<640x16xf32, #tpu.memory_space<vmem_shared>>
      tpu.wait_dma2 semaphore(%run_scoped3A_35 : memref<!tpu.dma_semaphore, #tpu.memory_space<semaphore_mem>>) src(%arg6 : memref<640x16xf32, #tpu.memory_space<hbm>>) dst(%dma_wait3A_39 : memref<640x16xf32, #tpu.memory_space<vmem_shared>>)
      tpu.yield
    }) : () -> ()
    %barrier3A = arith.constant 0 : index
    tpu.barrier barrier_id(%barrier3A)
    %dma_start3A = arith.constant 0 : i32
    %dma_start3A_3 = arith.constant 0 : i32
    %dma_start3A_4 = tpu.memref_slice %arg9[%dma_start3A, %dma_start3A_3] : memref<80x128xi32, #tpu.memory_space<vmem>> -> memref<1x128xi32, #tpu.memory_space<vmem>>
    %dma_start3A_5 = tpu.memref_squeeze %dma_start3A_4 : memref<1x128xi32, #tpu.memory_space<vmem>> -> memref<128xi32, #tpu.memory_space<vmem>>
    %dma_start3A_6 = arith.constant 0 : i32
    %dma_start3A_7 = arith.constant 0 : i32
    %dma_start3A_8 = tpu.memref_slice %arg2[%dma_start3A_6, %dma_start3A_7] : memref<10000x16xf32, #tpu.memory_space<hbm>> -> memref<10000x16xf32, #tpu.memory_space<hbm>>
    tpu.enqueue_indirect_dma source(%dma_start3A_8 : memref<10000x16xf32, #tpu.memory_space<hbm>>) target(%arg11 : memref<128x16xf32, #tpu.memory_space<vmem>>) offsets(%dma_start3A_5 : memref<128xi32, #tpu.memory_space<vmem>>) semaphore(%arg14 : memref<!tpu.dma_semaphore, #tpu.memory_space<semaphore_mem>>)
    %scan3A = arith.constant 0 : i32
    %scan3A_9 = arith.constant 39 : i32
    %scan3A_10 = arith.addi %scan3A, %scan3A_9 : i32
    %scan3A_11 = arith.constant 1 : i32
    scf.for %scan3A_35 = %scan3A to %scan3A_10 step %scan3A_11  : i32 {
      %mul3A_36 = arith.constant 2 : i32
      %mul3A_37 = arith.muli %scan3A_35, %mul3A_36 : i32
      %add3A_38 = arith.constant 0 : i32
      %add3A_39 = arith.addi %add3A_38, %mul3A_37 : i32
      %add3A_40 = arith.constant 1 : i32
      %add3A_41 = arith.addi %add3A_39, %add3A_40 : i32
      %dma_start3A_42 = arith.constant 0 : i32
      %dma_start3A_43 = tpu.memref_slice %arg9[%add3A_41, %dma_start3A_42] : memref<80x128xi32, #tpu.memory_space<vmem>> -> memref<1x128xi32, #tpu.memory_space<vmem>>
      %dma_start3A_44 = tpu.memref_squeeze %dma_start3A_43 : memref<1x128xi32, #tpu.memory_space<vmem>> -> memref<128xi32, #tpu.memory_space<vmem>>
      %dma_start3A_45 = arith.constant 0 : i32
      %dma_start3A_46 = arith.constant 0 : i32
      %dma_start3A_47 = tpu.memref_slice %arg2[%dma_start3A_45, %dma_start3A_46] : memref<10000x16xf32, #tpu.memory_space<hbm>> -> memref<10000x16xf32, #tpu.memory_space<hbm>>
      tpu.enqueue_indirect_dma source(%dma_start3A_47 : memref<10000x16xf32, #tpu.memory_space<hbm>>) target(%arg12 : memref<128x16xf32, #tpu.memory_space<vmem>>) offsets(%dma_start3A_44 : memref<128xi32, #tpu.memory_space<vmem>>) semaphore(%arg15 : memref<!tpu.dma_semaphore, #tpu.memory_space<semaphore_mem>>)
      %dma_wait3A_48 = arith.constant 0 : i32
      %dma_wait3A_49 = tpu.memref_slice %arg9[%add3A_39, %dma_wait3A_48] : memref<80x128xi32, #tpu.memory_space<vmem>> -> memref<1x128xi32, #tpu.memory_space<vmem>>
      %dma_wait3A_50 = tpu.memref_squeeze %dma_wait3A_49 : memref<1x128xi32, #tpu.memory_space<vmem>> -> memref<128xi32, #tpu.memory_space<vmem>>
      %dma_wait3A_51 = arith.constant 0 : i32
      %dma_wait3A_52 = arith.constant 0 : i32
      %dma_wait3A_53 = tpu.memref_slice %arg2[%dma_wait3A_51, %dma_wait3A_52] : memref<10000x16xf32, #tpu.memory_space<hbm>> -> memref<10000x16xf32, #tpu.memory_space<hbm>>
      tpu.wait_indirect_dma semaphore(%arg14 : memref<!tpu.dma_semaphore, #tpu.memory_space<semaphore_mem>>) src(%dma_wait3A_53 : memref<10000x16xf32, #tpu.memory_space<hbm>>) dst(%arg11 : memref<128x16xf32, #tpu.memory_space<vmem>>)
      "tpu.region"() ({
        %run_scoped3A_70 = tpu.sem_alloc : memref<!tpu.dma_semaphore, #tpu.memory_space<semaphore_mem>>
        %dma_start3A_71 = arith.constant 0 : i32
        %dma_start3A_72 = tpu.memref_slice %arg10[%add3A_39, %dma_start3A_71] : memref<80x128xi32, #tpu.memory_space<vmem>> -> memref<1x128xi32, #tpu.memory_space<vmem>>
        %dma_start3A_73 = tpu.memref_squeeze %dma_start3A_72 : memref<1x128xi32, #tpu.memory_space<vmem>> -> memref<128xi32, #tpu.memory_space<vmem>>
        %dma_start3A_74 = arith.constant 0 : i32
        %dma_start3A_75 = arith.constant 0 : i32
        %dma_start3A_76 = tpu.memref_slice %arg13[%dma_start3A_74, %dma_start3A_75] : memref<10240x16xf32, #tpu.memory_space<vmem_shared>> -> memref<10240x16xf32, #tpu.memory_space<vmem_shared>>
        tpu.enqueue_indirect_dma source(%arg11 : memref<128x16xf32, #tpu.memory_space<vmem>>) target(%dma_start3A_76 : memref<10240x16xf32, #tpu.memory_space<vmem_shared>>) offsets(%dma_start3A_73 : memref<128xi32, #tpu.memory_space<vmem>>) semaphore(%run_scoped3A_70 : memref<!tpu.dma_semaphore, #tpu.memory_space<semaphore_mem>>) {add = true}
        %dma_wait3A_77 = arith.constant 0 : i32
        %dma_wait3A_78 = tpu.memref_slice %arg10[%add3A_39, %dma_wait3A_77] : memref<80x128xi32, #tpu.memory_space<vmem>> -> memref<1x128xi32, #tpu.memory_space<vmem>>
        %dma_wait3A_79 = tpu.memref_squeeze %dma_wait3A_78 : memref<1x128xi32, #tpu.memory_space<vmem>> -> memref<128xi32, #tpu.memory_space<vmem>>
        %dma_wait3A_80 = arith.constant 0 : i32
        %dma_wait3A_81 = arith.constant 0 : i32
        %dma_wait3A_82 = tpu.memref_slice %arg13[%dma_wait3A_80, %dma_wait3A_81] : memref<10240x16xf32, #tpu.memory_space<vmem_shared>> -> memref<10240x16xf32, #tpu.memory_space<vmem_shared>>
        tpu.wait_indirect_dma semaphore(%run_scoped3A_70 : memref<!tpu.dma_semaphore, #tpu.memory_space<semaphore_mem>>) src(%arg11 : memref<128x16xf32, #tpu.memory_space<vmem>>) dst(%dma_wait3A_82 : memref<10240x16xf32, #tpu.memory_space<vmem_shared>>)
        tpu.yield
      }) : () -> ()
      %add3A_54 = arith.constant 2 : i32
      %add3A_55 = arith.addi %add3A_39, %add3A_54 : i32
      %dma_start3A_56 = arith.constant 0 : i32
      %dma_start3A_57 = tpu.memref_slice %arg9[%add3A_55, %dma_start3A_56] : memref<80x128xi32, #tpu.memory_space<vmem>> -> memref<1x128xi32, #tpu.memory_space<vmem>>
      %dma_start3A_58 = tpu.memref_squeeze %dma_start3A_57 : memref<1x128xi32, #tpu.memory_space<vmem>> -> memref<128xi32, #tpu.memory_space<vmem>>
      %dma_start3A_59 = arith.constant 0 : i32
      %dma_start3A_60 = arith.constant 0 : i32
      %dma_start3A_61 = tpu.memref_slice %arg2[%dma_start3A_59, %dma_start3A_60] : memref<10000x16xf32, #tpu.memory_space<hbm>> -> memref<10000x16xf32, #tpu.memory_space<hbm>>
      tpu.enqueue_indirect_dma source(%dma_start3A_61 : memref<10000x16xf32, #tpu.memory_space<hbm>>) target(%arg11 : memref<128x16xf32, #tpu.memory_space<vmem>>) offsets(%dma_start3A_58 : memref<128xi32, #tpu.memory_space<vmem>>) semaphore(%arg14 : memref<!tpu.dma_semaphore, #tpu.memory_space<semaphore_mem>>)
      %add3A_62 = arith.constant 1 : i32
      %add3A_63 = arith.addi %add3A_39, %add3A_62 : i32
      %dma_wait3A_64 = arith.constant 0 : i32
      %dma_wait3A_65 = tpu.memref_slice %arg9[%add3A_63, %dma_wait3A_64] : memref<80x128xi32, #tpu.memory_space<vmem>> -> memref<1x128xi32, #tpu.memory_space<vmem>>
      %dma_wait3A_66 = tpu.memref_squeeze %dma_wait3A_65 : memref<1x128xi32, #tpu.memory_space<vmem>> -> memref<128xi32, #tpu.memory_space<vmem>>
      %dma_wait3A_67 = arith.constant 0 : i32
      %dma_wait3A_68 = arith.constant 0 : i32
      %dma_wait3A_69 = tpu.memref_slice %arg2[%dma_wait3A_67, %dma_wait3A_68] : memref<10000x16xf32, #tpu.memory_space<hbm>> -> memref<10000x16xf32, #tpu.memory_space<hbm>>
      tpu.wait_indirect_dma semaphore(%arg15 : memref<!tpu.dma_semaphore, #tpu.memory_space<semaphore_mem>>) src(%dma_wait3A_69 : memref<10000x16xf32, #tpu.memory_space<hbm>>) dst(%arg12 : memref<128x16xf32, #tpu.memory_space<vmem>>)
      "tpu.region"() ({
        %run_scoped3A_70 = tpu.sem_alloc : memref<!tpu.dma_semaphore, #tpu.memory_space<semaphore_mem>>
        %dma_start3A_71 = arith.constant 0 : i32
        %dma_start3A_72 = tpu.memref_slice %arg10[%add3A_63, %dma_start3A_71] : memref<80x128xi32, #tpu.memory_space<vmem>> -> memref<1x128xi32, #tpu.memory_space<vmem>>
        %dma_start3A_73 = tpu.memref_squeeze %dma_start3A_72 : memref<1x128xi32, #tpu.memory_space<vmem>> -> memref<128xi32, #tpu.memory_space<vmem>>
        %dma_start3A_74 = arith.constant 0 : i32
        %dma_start3A_75 = arith.constant 0 : i32
        %dma_start3A_76 = tpu.memref_slice %arg13[%dma_start3A_74, %dma_start3A_75] : memref<10240x16xf32, #tpu.memory_space<vmem_shared>> -> memref<10240x16xf32, #tpu.memory_space<vmem_shared>>
        tpu.enqueue_indirect_dma source(%arg12 : memref<128x16xf32, #tpu.memory_space<vmem>>) target(%dma_start3A_76 : memref<10240x16xf32, #tpu.memory_space<vmem_shared>>) offsets(%dma_start3A_73 : memref<128xi32, #tpu.memory_space<vmem>>) semaphore(%run_scoped3A_70 : memref<!tpu.dma_semaphore, #tpu.memory_space<semaphore_mem>>) {add = true}
        %dma_wait3A_77 = arith.constant 0 : i32
        %dma_wait3A_78 = tpu.memref_slice %arg10[%add3A_63, %dma_wait3A_77] : memref<80x128xi32, #tpu.memory_space<vmem>> -> memref<1x128xi32, #tpu.memory_space<vmem>>
        %dma_wait3A_79 = tpu.memref_squeeze %dma_wait3A_78 : memref<1x128xi32, #tpu.memory_space<vmem>> -> memref<128xi32, #tpu.memory_space<vmem>>
        %dma_wait3A_80 = arith.constant 0 : i32
        %dma_wait3A_81 = arith.constant 0 : i32
        %dma_wait3A_82 = tpu.memref_slice %arg13[%dma_wait3A_80, %dma_wait3A_81] : memref<10240x16xf32, #tpu.memory_space<vmem_shared>> -> memref<10240x16xf32, #tpu.memory_space<vmem_shared>>
        tpu.wait_indirect_dma semaphore(%run_scoped3A_70 : memref<!tpu.dma_semaphore, #tpu.memory_space<semaphore_mem>>) src(%arg12 : memref<128x16xf32, #tpu.memory_space<vmem>>) dst(%dma_wait3A_82 : memref<10240x16xf32, #tpu.memory_space<vmem_shared>>)
        tpu.yield
      }) : () -> ()
    }
    %scan3A_12 = arith.constant 39 : i32
    %dma_start3A_13 = arith.constant 79 : i32
    %dma_start3A_14 = arith.constant 0 : i32
    %dma_start3A_15 = tpu.memref_slice %arg9[%dma_start3A_13, %dma_start3A_14] : memref<80x128xi32, #tpu.memory_space<vmem>> -> memref<1x128xi32, #tpu.memory_space<vmem>>
    %dma_start3A_16 = tpu.memref_squeeze %dma_start3A_15 : memref<1x128xi32, #tpu.memory_space<vmem>> -> memref<128xi32, #tpu.memory_space<vmem>>
    %dma_start3A_17 = arith.constant 0 : i32
    %dma_start3A_18 = arith.constant 0 : i32
    %dma_start3A_19 = tpu.memref_slice %arg2[%dma_start3A_17, %dma_start3A_18] : memref<10000x16xf32, #tpu.memory_space<hbm>> -> memref<10000x16xf32, #tpu.memory_space<hbm>>
    tpu.enqueue_indirect_dma source(%dma_start3A_19 : memref<10000x16xf32, #tpu.memory_space<hbm>>) target(%arg12 : memref<128x16xf32, #tpu.memory_space<vmem>>) offsets(%dma_start3A_16 : memref<128xi32, #tpu.memory_space<vmem>>) semaphore(%arg15 : memref<!tpu.dma_semaphore, #tpu.memory_space<semaphore_mem>>)
    %dma_wait3A = arith.constant 78 : i32
    %dma_wait3A_20 = arith.constant 0 : i32
    %dma_wait3A_21 = tpu.memref_slice %arg9[%dma_wait3A, %dma_wait3A_20] : memref<80x128xi32, #tpu.memory_space<vmem>> -> memref<1x128xi32, #tpu.memory_space<vmem>>
    %dma_wait3A_22 = tpu.memref_squeeze %dma_wait3A_21 : memref<1x128xi32, #tpu.memory_space<vmem>> -> memref<128xi32, #tpu.memory_space<vmem>>
    %dma_wait3A_23 = arith.constant 0 : i32
    %dma_wait3A_24 = arith.constant 0 : i32
    %dma_wait3A_25 = tpu.memref_slice %arg2[%dma_wait3A_23, %dma_wait3A_24] : memref<10000x16xf32, #tpu.memory_space<hbm>> -> memref<10000x16xf32, #tpu.memory_space<hbm>>
    tpu.wait_indirect_dma semaphore(%arg14 : memref<!tpu.dma_semaphore, #tpu.memory_space<semaphore_mem>>) src(%dma_wait3A_25 : memref<10000x16xf32, #tpu.memory_space<hbm>>) dst(%arg11 : memref<128x16xf32, #tpu.memory_space<vmem>>)
    %run_scoped3A = arith.constant 78 : i32
    "tpu.region"() ({
      %run_scoped3A_35 = tpu.sem_alloc : memref<!tpu.dma_semaphore, #tpu.memory_space<semaphore_mem>>
      %dma_start3A_36 = arith.constant 0 : i32
      %dma_start3A_37 = tpu.memref_slice %arg10[%run_scoped3A, %dma_start3A_36] : memref<80x128xi32, #tpu.memory_space<vmem>> -> memref<1x128xi32, #tpu.memory_space<vmem>>
      %dma_start3A_38 = tpu.memref_squeeze %dma_start3A_37 : memref<1x128xi32, #tpu.memory_space<vmem>> -> memref<128xi32, #tpu.memory_space<vmem>>
      %dma_start3A_39 = arith.constant 0 : i32
      %dma_start3A_40 = arith.constant 0 : i32
      %dma_start3A_41 = tpu.memref_slice %arg13[%dma_start3A_39, %dma_start3A_40] : memref<10240x16xf32, #tpu.memory_space<vmem_shared>> -> memref<10240x16xf32, #tpu.memory_space<vmem_shared>>
      tpu.enqueue_indirect_dma source(%arg11 : memref<128x16xf32, #tpu.memory_space<vmem>>) target(%dma_start3A_41 : memref<10240x16xf32, #tpu.memory_space<vmem_shared>>) offsets(%dma_start3A_38 : memref<128xi32, #tpu.memory_space<vmem>>) semaphore(%run_scoped3A_35 : memref<!tpu.dma_semaphore, #tpu.memory_space<semaphore_mem>>) {add = true}
      %dma_wait3A_42 = arith.constant 0 : i32
      %dma_wait3A_43 = tpu.memref_slice %arg10[%run_scoped3A, %dma_wait3A_42] : memref<80x128xi32, #tpu.memory_space<vmem>> -> memref<1x128xi32, #tpu.memory_space<vmem>>
      %dma_wait3A_44 = tpu.memref_squeeze %dma_wait3A_43 : memref<1x128xi32, #tpu.memory_space<vmem>> -> memref<128xi32, #tpu.memory_space<vmem>>
      %dma_wait3A_45 = arith.constant 0 : i32
      %dma_wait3A_46 = arith.constant 0 : i32
      %dma_wait3A_47 = tpu.memref_slice %arg13[%dma_wait3A_45, %dma_wait3A_46] : memref<10240x16xf32, #tpu.memory_space<vmem_shared>> -> memref<10240x16xf32, #tpu.memory_space<vmem_shared>>
      tpu.wait_indirect_dma semaphore(%run_scoped3A_35 : memref<!tpu.dma_semaphore, #tpu.memory_space<semaphore_mem>>) src(%arg11 : memref<128x16xf32, #tpu.memory_space<vmem>>) dst(%dma_wait3A_47 : memref<10240x16xf32, #tpu.memory_space<vmem_shared>>)
      tpu.yield
    }) : () -> ()
    %dma_wait3A_26 = arith.constant 79 : i32
    %dma_wait3A_27 = arith.constant 0 : i32
    %dma_wait3A_28 = tpu.memref_slice %arg9[%dma_wait3A_26, %dma_wait3A_27] : memref<80x128xi32, #tpu.memory_space<vmem>> -> memref<1x128xi32, #tpu.memory_space<vmem>>
    %dma_wait3A_29 = tpu.memref_squeeze %dma_wait3A_28 : memref<1x128xi32, #tpu.memory_space<vmem>> -> memref<128xi32, #tpu.memory_space<vmem>>
    %dma_wait3A_30 = arith.constant 0 : i32
    %dma_wait3A_31 = arith.constant 0 : i32
    %dma_wait3A_32 = tpu.memref_slice %arg2[%dma_wait3A_30, %dma_wait3A_31] : memref<10000x16xf32, #tpu.memory_space<hbm>> -> memref<10000x16xf32, #tpu.memory_space<hbm>>
    tpu.wait_indirect_dma semaphore(%arg15 : memref<!tpu.dma_semaphore, #tpu.memory_space<semaphore_mem>>) src(%dma_wait3A_32 : memref<10000x16xf32, #tpu.memory_space<hbm>>) dst(%arg12 : memref<128x16xf32, #tpu.memory_space<vmem>>)
    %run_scoped3A_33 = arith.constant 79 : i32
    "tpu.region"() ({
      %run_scoped3A_35 = tpu.sem_alloc : memref<!tpu.dma_semaphore, #tpu.memory_space<semaphore_mem>>
      %dma_start3A_36 = arith.constant 0 : i32
      %dma_start3A_37 = tpu.memref_slice %arg10[%run_scoped3A_33, %dma_start3A_36] : memref<80x128xi32, #tpu.memory_space<vmem>> -> memref<1x128xi32, #tpu.memory_space<vmem>>
      %dma_start3A_38 = tpu.memref_squeeze %dma_start3A_37 : memref<1x128xi32, #tpu.memory_space<vmem>> -> memref<128xi32, #tpu.memory_space<vmem>>
      %dma_start3A_39 = arith.constant 0 : i32
      %dma_start3A_40 = arith.constant 0 : i32
      %dma_start3A_41 = tpu.memref_slice %arg13[%dma_start3A_39, %dma_start3A_40] : memref<10240x16xf32, #tpu.memory_space<vmem_shared>> -> memref<10240x16xf32, #tpu.memory_space<vmem_shared>>
      tpu.enqueue_indirect_dma source(%arg12 : memref<128x16xf32, #tpu.memory_space<vmem>>) target(%dma_start3A_41 : memref<10240x16xf32, #tpu.memory_space<vmem_shared>>) offsets(%dma_start3A_38 : memref<128xi32, #tpu.memory_space<vmem>>) semaphore(%run_scoped3A_35 : memref<!tpu.dma_semaphore, #tpu.memory_space<semaphore_mem>>) {add = true}
      %dma_wait3A_42 = arith.constant 0 : i32
      %dma_wait3A_43 = tpu.memref_slice %arg10[%run_scoped3A_33, %dma_wait3A_42] : memref<80x128xi32, #tpu.memory_space<vmem>> -> memref<1x128xi32, #tpu.memory_space<vmem>>
      %dma_wait3A_44 = tpu.memref_squeeze %dma_wait3A_43 : memref<1x128xi32, #tpu.memory_space<vmem>> -> memref<128xi32, #tpu.memory_space<vmem>>
      %dma_wait3A_45 = arith.constant 0 : i32
      %dma_wait3A_46 = arith.constant 0 : i32
      %dma_wait3A_47 = tpu.memref_slice %arg13[%dma_wait3A_45, %dma_wait3A_46] : memref<10240x16xf32, #tpu.memory_space<vmem_shared>> -> memref<10240x16xf32, #tpu.memory_space<vmem_shared>>
      tpu.wait_indirect_dma semaphore(%run_scoped3A_35 : memref<!tpu.dma_semaphore, #tpu.memory_space<semaphore_mem>>) src(%arg12 : memref<128x16xf32, #tpu.memory_space<vmem>>) dst(%dma_wait3A_47 : memref<10240x16xf32, #tpu.memory_space<vmem_shared>>)
      tpu.yield
    }) : () -> ()
    %barrier3A_34 = arith.constant 0 : index
    tpu.barrier barrier_id(%barrier3A_34)
    "tpu.region"() ({
      %run_scoped3A_35 = tpu.sem_alloc : memref<!tpu.dma_semaphore, #tpu.memory_space<semaphore_mem>>
      %dma_start3A_36 = arith.constant 0 : i32
      %dma_start3A_37 = tpu.memref_slice %arg8[%arg0, %mul3A_2, %dma_start3A_36] : memref<2x10240x16xf32, #tpu.memory_space<hbm>> -> memref<1x640x16xf32, #tpu.memory_space<hbm>>
      %dma_start3A_38 = tpu.memref_squeeze %dma_start3A_37 : memref<1x640x16xf32, #tpu.memory_space<hbm>> -> memref<640x16xf32, #tpu.memory_space<hbm>>
      %dma_start3A_39 = arith.constant 0 : i32
      %dma_start3A_40 = tpu.memref_slice %arg13[%mul3A_2, %dma_start3A_39] : memref<10240x16xf32, #tpu.memory_space<vmem_shared>> -> memref<640x16xf32, #tpu.memory_space<vmem_shared>>
      tpu.enqueue_dma source(%dma_start3A_40 : memref<640x16xf32, #tpu.memory_space<vmem_shared>>) target(%dma_start3A_38 : memref<640x16xf32, #tpu.memory_space<hbm>>) target_semaphore(%run_scoped3A_35 : memref<!tpu.dma_semaphore, #tpu.memory_space<semaphore_mem>>)
      %dma_wait3A_41 = arith.constant 0 : i32
      %dma_wait3A_42 = tpu.memref_slice %arg8[%arg0, %mul3A_2, %dma_wait3A_41] : memref<2x10240x16xf32, #tpu.memory_space<hbm>> -> memref<1x640x16xf32, #tpu.memory_space<hbm>>
      %dma_wait3A_43 = tpu.memref_squeeze %dma_wait3A_42 : memref<1x640x16xf32, #tpu.memory_space<hbm>> -> memref<640x16xf32, #tpu.memory_space<hbm>>
      %dma_wait3A_44 = arith.constant 0 : i32
      %dma_wait3A_45 = tpu.memref_slice %arg13[%mul3A_2, %dma_wait3A_44] : memref<10240x16xf32, #tpu.memory_space<vmem_shared>> -> memref<640x16xf32, #tpu.memory_space<vmem_shared>>
      tpu.wait_dma2 semaphore(%run_scoped3A_35 : memref<!tpu.dma_semaphore, #tpu.memory_space<semaphore_mem>>) src(%dma_wait3A_45 : memref<640x16xf32, #tpu.memory_space<vmem_shared>>) dst(%dma_wait3A_43 : memref<640x16xf32, #tpu.memory_space<hbm>>)
      tpu.yield
    }) : () -> ()
    return
  }
}

module attributes {stable_mosaic.version = 14 : i64} {
  func.func @body(%arg0: i32, %arg1: memref<1000x128xf32, #tpu.memory_space<vmem>>, %arg2: memref<128x128xf32, #tpu.memory_space<vmem>>, %arg3: memref<128x128xf32, #tpu.memory_space<vmem>>, %arg4: memref<1000x128xbf16, #tpu.memory_space<vmem>>, %arg5: memref<1000x128xf32, #tpu.memory_space<vmem>>) attributes {dimension_semantics = [#tpu.dimension_semantics<arbitrary>], iteration_bounds = array<i64: 10>, scalar_prefetch = 0 : i64, scratch_operands = 0 : i64, tpu.core_type = #tpu.core_type<tc>, window_params = [{transform_indices = @transform_0, window_bounds = array<i64: 1000, 128>}, {pipeline_mode = #tpu.pipeline_mode<synchronous>, transform_indices = @transform_1, window_bounds = array<i64: 128, 128>}, {pipeline_mode = #tpu.pipeline_mode<synchronous>, transform_indices = @transform_2, window_bounds = array<i64: 128, 128>}, {transform_indices = @transform_3, window_bounds = array<i64: 1000, 128>}, {transform_indices = @transform_4, window_bounds = array<i64: 1000, 128>}]} {
    %get3A = arith.constant 0 : index
    %get3A_0 = arith.constant 0 : index
    %get3A_1 = vector.load %arg1[%get3A, %get3A_0] : memref<1000x128xf32, #tpu.memory_space<vmem>>, vector<1000x128xf32>
    %get3A_2 = arith.constant 0 : index
    %get3A_3 = arith.constant 0 : index
    %get3A_4 = vector.load %arg2[%get3A_2, %get3A_3] : memref<128x128xf32, #tpu.memory_space<vmem>>, vector<128x128xf32>
    %dot_general3A = arith.constant dense<0.000000e+00> : vector<1000x128xf32>
    %dot_general3A_5 = tpu.matmul %get3A_1, %get3A_4, %dot_general3A {dimension_numbers = #tpu.dot_dimension_numbers<[1], [1], [0], [0], [0, 0, 1, 0], [], []>, transpose_lhs_hint = false} : vector<1000x128xf32>, vector<128x128xf32>, vector<1000x128xf32> -> vector<1000x128xf32>
    %convert_element_type3A = arith.truncf %dot_general3A_5 : vector<1000x128xf32> to vector<1000x128xbf16>
    %swap3A = arith.constant 0 : index
    %swap3A_6 = arith.constant 0 : index
    %swap3A_7 = vector.load %arg4[%swap3A, %swap3A_6] : memref<1000x128xbf16, #tpu.memory_space<vmem>>, vector<1000x128xbf16>
    tpu.vector_store %arg4[%swap3A, %swap3A_6], %convert_element_type3A {strides = array<i32>} : memref<1000x128xbf16, #tpu.memory_space<vmem>>, vector<1000x128xbf16>,
    %get3A_8 = arith.constant 0 : index
    %get3A_9 = arith.constant 0 : index
    %get3A_10 = vector.load %arg3[%get3A_8, %get3A_9] : memref<128x128xf32, #tpu.memory_space<vmem>>, vector<128x128xf32>
    %dot_general3A_11 = arith.constant dense<0.000000e+00> : vector<1000x128xf32>
    %dot_general3A_12 = tpu.matmul %get3A_1, %get3A_10, %dot_general3A_11 {dimension_numbers = #tpu.dot_dimension_numbers<[1], [1], [0], [0], [0, 0, 1, 0], [], []>, transpose_lhs_hint = false} : vector<1000x128xf32>, vector<128x128xf32>, vector<1000x128xf32> -> vector<1000x128xf32>
    %swap3A_13 = arith.constant 0 : index
    %swap3A_14 = arith.constant 0 : index
    %swap3A_15 = vector.load %arg5[%swap3A_13, %swap3A_14] : memref<1000x128xf32, #tpu.memory_space<vmem>>, vector<1000x128xf32>
    tpu.vector_store %arg5[%swap3A_13, %swap3A_14], %dot_general3A_12 {strides = array<i32>} : memref<1000x128xf32, #tpu.memory_space<vmem>>, vector<1000x128xf32>,
    return
  }
  func.func @transform_0(%arg0: i32) -> (i32, i32) {
    %c0_i32 = arith.constant 0 : i32
    %c0_i32_0 = arith.constant 0 : i32
    return %arg0, %c0_i32 : i32, i32
  }
  func.func @transform_1(%arg0: i32) -> (i32, i32) {
    %c0_i32 = arith.constant 0 : i32
    %c0_i32_0 = arith.constant 0 : i32
    %c0_i32_1 = arith.constant 0 : i32
    return %c0_i32, %c0_i32_0 : i32, i32
  }
  func.func @transform_2(%arg0: i32) -> (i32, i32) {
    %c0_i32 = arith.constant 0 : i32
    %c0_i32_0 = arith.constant 0 : i32
    %c0_i32_1 = arith.constant 0 : i32
    return %c0_i32, %c0_i32_0 : i32, i32
  }
  func.func @transform_3(%arg0: i32) -> (i32, i32) {
    %c0_i32 = arith.constant 0 : i32
    %c0_i32_0 = arith.constant 0 : i32
    return %arg0, %c0_i32 : i32, i32
  }
  func.func @transform_4(%arg0: i32) -> (i32, i32) {
    %c0_i32 = arith.constant 0 : i32
    %c0_i32_0 = arith.constant 0 : i32
    return %arg0, %c0_i32 : i32, i32
  }
}

module attributes {stable_mosaic.version = 14 : i64} {
  func.func @body(%arg0: i32, %arg1: memref<2x1000x128xbf16, #tpu.memory_space<vmem>>, %arg2: memref<2x1000x16xf32, #tpu.memory_space<vmem>>, %arg3: memref<1000x128xf32, #tpu.memory_space<vmem>>, %arg4: memref<128xf32, #tpu.memory_space<vmem>>, %arg5: memref<128xf32, #tpu.memory_space<vmem>>, %arg6: memref<128xf32, #tpu.memory_space<vmem>>, %arg7: memref<128xf32, #tpu.memory_space<vmem>>, %arg8: memref<128xf32, #tpu.memory_space<vmem>>, %arg9: memref<128x128xf32, #tpu.memory_space<vmem>>, %arg10: memref<128x128xf32, #tpu.memory_space<vmem>>, %arg11: memref<1000x128xbf16, #tpu.memory_space<vmem>>, %arg12: memref<1000x128xf32, #tpu.memory_space<vmem>>) attributes {dimension_semantics = [#tpu.dimension_semantics<arbitrary>], iteration_bounds = array<i64: 10>, scalar_prefetch = 0 : i64, scratch_operands = 0 : i64, tpu.core_type = #tpu.core_type<tc>, window_params = [{transform_indices = @transform_0, window_bounds = array<i64: 2, 1000, 128>}, {transform_indices = @transform_1, window_bounds = array<i64: 2, 1000, 16>}, {transform_indices = @transform_2, window_bounds = array<i64: 1000, 128>}, {pipeline_mode = #tpu.pipeline_mode<synchronous>, transform_indices = @transform_3, window_bounds = array<i64: 128>}, {pipeline_mode = #tpu.pipeline_mode<synchronous>, transform_indices = @transform_4, window_bounds = array<i64: 128>}, {pipeline_mode = #tpu.pipeline_mode<synchronous>, transform_indices = @transform_5, window_bounds = array<i64: 128>}, {pipeline_mode = #tpu.pipeline_mode<synchronous>, transform_indices = @transform_6, window_bounds = array<i64: 128>}, {pipeline_mode = #tpu.pipeline_mode<synchronous>, transform_indices = @transform_7, window_bounds = array<i64: 128>}, {pipeline_mode = #tpu.pipeline_mode<synchronous>, transform_indices = @transform_8, window_bounds = array<i64: 128, 128>}, {pipeline_mode = #tpu.pipeline_mode<synchronous>, transform_indices = @transform_9, window_bounds = array<i64: 128, 128>}, {transform_indices = @transform_10, window_bounds = array<i64: 1000, 128>}, {transform_indices = @transform_11, window_bounds = array<i64: 1000, 128>}]} {
    %get3A = arith.constant 0 : index
    %get3A_0 = arith.constant 0 : index
    %get3A_1 = arith.constant 0 : index
    %get3A_2 = vector.load %arg1[%get3A, %get3A_0, %get3A_1] : memref<2x1000x128xbf16, #tpu.memory_space<vmem>>, vector<1x1000x128xbf16>
    %get3A_3 = vector.shape_cast %get3A_2 : vector<1x1000x128xbf16> to vector<1000x128xbf16>
    %convert_element_type3A = arith.extf %get3A_3 : vector<1000x128xbf16> to vector<1000x128xf32>
    %get3A_4 = arith.constant 1 : index
    %get3A_5 = arith.constant 0 : index
    %get3A_6 = arith.constant 0 : index
    %get3A_7 = vector.load %arg1[%get3A_4, %get3A_5, %get3A_6] : memref<2x1000x128xbf16, #tpu.memory_space<vmem>>, vector<1x1000x128xbf16>
    %get3A_8 = vector.shape_cast %get3A_7 : vector<1x1000x128xbf16> to vector<1000x128xbf16>
    %convert_element_type3A_9 = arith.extf %get3A_8 : vector<1000x128xbf16> to vector<1000x128xf32>
    %add3A = arith.addf %convert_element_type3A, %convert_element_type3A_9 : vector<1000x128xf32>
    %get3A_10 = arith.constant 0 : index
    %get3A_11 = arith.constant 0 : index
    %get3A_12 = arith.constant 0 : index
    %get3A_13 = vector.load %arg2[%get3A_10, %get3A_11, %get3A_12] : memref<2x1000x16xf32, #tpu.memory_space<vmem>>, vector<1x1000x1xf32>
    %get3A_14 = vector.shape_cast %get3A_13 : vector<1x1000x1xf32> to vector<1000x1xf32>
    %get3A_15 = arith.constant 1 : index
    %get3A_16 = arith.constant 0 : index
    %get3A_17 = arith.constant 0 : index
    %get3A_18 = vector.load %arg2[%get3A_15, %get3A_16, %get3A_17] : memref<2x1000x16xf32, #tpu.memory_space<vmem>>, vector<1x1000x1xf32>
    %get3A_19 = vector.shape_cast %get3A_18 : vector<1x1000x1xf32> to vector<1000x1xf32>
    %add3A_20 = arith.addf %get3A_14, %get3A_19 : vector<1000x1xf32>
    %get3A_21 = arith.constant 0 : index
    %get3A_22 = vector.load %arg5[%get3A_21] : memref<128xf32, #tpu.memory_space<vmem>>, vector<128xf32>
    %get3A_23 = arith.constant 0 : index
    %get3A_24 = vector.load %arg8[%get3A_23] : memref<128xf32, #tpu.memory_space<vmem>>, vector<128xf32>
    %add3A_25 = arith.constant 9.99999974E-6 : f32
    %add3A_26 = vector.broadcast %add3A_25 : f32 to vector<128xf32>
    %add3A_27 = arith.addf %get3A_24, %add3A_26 : vector<128xf32>
    %rsqrt3A = math.rsqrt %add3A_27 : vector<128xf32>
    %mul3A = arith.mulf %get3A_22, %rsqrt3A : vector<128xf32>
    %get3A_28 = arith.constant 0 : index
    %get3A_29 = vector.load %arg6[%get3A_28] : memref<128xf32, #tpu.memory_space<vmem>>, vector<128xf32>
    %get3A_30 = arith.constant 0 : index
    %get3A_31 = vector.load %arg7[%get3A_30] : memref<128xf32, #tpu.memory_space<vmem>>, vector<128xf32>
    %mul3A_32 = arith.mulf %get3A_31, %mul3A : vector<128xf32>
    %sub3A = arith.subf %get3A_29, %mul3A_32 : vector<128xf32>
    %max3A = arith.constant 1.000000e+00 : f32
    %max3A_33 = vector.broadcast %max3A : f32 to vector<1000x1xf32>
    %max3A_34 = arith.maximumf %add3A_20, %max3A_33 : vector<1000x1xf32>
    %div3A = vector.broadcast %max3A_34 : vector<1000x1xf32> to vector<1000x128xf32>
    %div3A_35 = arith.divf %add3A, %div3A : vector<1000x128xf32>
    %get3A_36 = arith.constant 0 : index
    %get3A_37 = vector.load %arg4[%get3A_36] : memref<128xf32, #tpu.memory_space<vmem>>, vector<128xf32>
    %broadcast_in_dim3A = vector.shape_cast %get3A_37 : vector<128xf32> to vector<1x128xf32>
    %add3A_38 = vector.broadcast %broadcast_in_dim3A : vector<1x128xf32> to vector<1000x128xf32>
    %add3A_39 = arith.addf %div3A_35, %add3A_38 : vector<1000x128xf32>
    %get3A_40 = arith.constant 0 : index
    %get3A_41 = arith.constant 0 : index
    %get3A_42 = vector.load %arg3[%get3A_40, %get3A_41] : memref<1000x128xf32, #tpu.memory_space<vmem>>, vector<1000x128xf32>
    %add3A_43 = arith.addf %add3A_39, %get3A_42 : vector<1000x128xf32>
    %broadcast_in_dim3A_44 = vector.shape_cast %mul3A : vector<128xf32> to vector<1x128xf32>
    %mul3A_45 = vector.broadcast %broadcast_in_dim3A_44 : vector<1x128xf32> to vector<1000x128xf32>
    %mul3A_46 = arith.mulf %add3A_43, %mul3A_45 : vector<1000x128xf32>
    %broadcast_in_dim3A_47 = vector.shape_cast %sub3A : vector<128xf32> to vector<1x128xf32>
    %add3A_48 = vector.broadcast %broadcast_in_dim3A_47 : vector<1x128xf32> to vector<1000x128xf32>
    %add3A_49 = arith.addf %mul3A_46, %add3A_48 : vector<1000x128xf32>
    %max3A_50 = arith.constant 0.000000e+00 : f32
    %max3A_51 = vector.broadcast %max3A_50 : f32 to vector<1000x128xf32>
    %max3A_52 = arith.maximumf %add3A_49, %max3A_51 : vector<1000x128xf32>
    %get3A_53 = arith.constant 0 : index
    %get3A_54 = arith.constant 0 : index
    %get3A_55 = vector.load %arg9[%get3A_53, %get3A_54] : memref<128x128xf32, #tpu.memory_space<vmem>>, vector<128x128xf32>
    %dot_general3A = arith.constant dense<0.000000e+00> : vector<1000x128xf32>
    %dot_general3A_56 = tpu.matmul %max3A_52, %get3A_55, %dot_general3A {dimension_numbers = #tpu.dot_dimension_numbers<[1], [1], [0], [0], [0, 0, 1, 0], [], []>, transpose_lhs_hint = false} : vector<1000x128xf32>, vector<128x128xf32>, vector<1000x128xf32> -> vector<1000x128xf32>
    %convert_element_type3A_57 = arith.truncf %dot_general3A_56 : vector<1000x128xf32> to vector<1000x128xbf16>
    %swap3A = arith.constant 0 : index
    %swap3A_58 = arith.constant 0 : index
    %swap3A_59 = vector.load %arg11[%swap3A, %swap3A_58] : memref<1000x128xbf16, #tpu.memory_space<vmem>>, vector<1000x128xbf16>
    tpu.vector_store %arg11[%swap3A, %swap3A_58], %convert_element_type3A_57 {strides = array<i32>} : memref<1000x128xbf16, #tpu.memory_space<vmem>>, vector<1000x128xbf16>,
    %get3A_60 = arith.constant 0 : index
    %get3A_61 = arith.constant 0 : index
    %get3A_62 = vector.load %arg10[%get3A_60, %get3A_61] : memref<128x128xf32, #tpu.memory_space<vmem>>, vector<128x128xf32>
    %dot_general3A_63 = arith.constant dense<0.000000e+00> : vector<1000x128xf32>
    %dot_general3A_64 = tpu.matmul %max3A_52, %get3A_62, %dot_general3A_63 {dimension_numbers = #tpu.dot_dimension_numbers<[1], [1], [0], [0], [0, 0, 1, 0], [], []>, transpose_lhs_hint = false} : vector<1000x128xf32>, vector<128x128xf32>, vector<1000x128xf32> -> vector<1000x128xf32>
    %swap3A_65 = arith.constant 0 : index
    %swap3A_66 = arith.constant 0 : index
    %swap3A_67 = vector.load %arg12[%swap3A_65, %swap3A_66] : memref<1000x128xf32, #tpu.memory_space<vmem>>, vector<1000x128xf32>
    tpu.vector_store %arg12[%swap3A_65, %swap3A_66], %dot_general3A_64 {strides = array<i32>} : memref<1000x128xf32, #tpu.memory_space<vmem>>, vector<1000x128xf32>,
    return
  }
  func.func @transform_0(%arg0: i32) -> (i32, i32, i32) {
    %c0_i32 = arith.constant 0 : i32
    %c0_i32_0 = arith.constant 0 : i32
    %c0_i32_1 = arith.constant 0 : i32
    return %c0_i32, %arg0, %c0_i32_0 : i32, i32, i32
  }
  func.func @transform_1(%arg0: i32) -> (i32, i32, i32) {
    %c0_i32 = arith.constant 0 : i32
    %c0_i32_0 = arith.constant 0 : i32
    %c0_i32_1 = arith.constant 0 : i32
    return %c0_i32, %arg0, %c0_i32_0 : i32, i32, i32
  }
  func.func @transform_2(%arg0: i32) -> (i32, i32) {
    %c0_i32 = arith.constant 0 : i32
    %c0_i32_0 = arith.constant 0 : i32
    return %arg0, %c0_i32 : i32, i32
  }
  func.func @transform_3(%arg0: i32) -> i32 {
    %c0_i32 = arith.constant 0 : i32
    %c0_i32_0 = arith.constant 0 : i32
    return %c0_i32 : i32
  }
  func.func @transform_4(%arg0: i32) -> i32 {
    %c0_i32 = arith.constant 0 : i32
    %c0_i32_0 = arith.constant 0 : i32
    return %c0_i32 : i32
  }
  func.func @transform_5(%arg0: i32) -> i32 {
    %c0_i32 = arith.constant 0 : i32
    %c0_i32_0 = arith.constant 0 : i32
    return %c0_i32 : i32
  }
  func.func @transform_6(%arg0: i32) -> i32 {
    %c0_i32 = arith.constant 0 : i32
    %c0_i32_0 = arith.constant 0 : i32
    return %c0_i32 : i32
  }
  func.func @transform_7(%arg0: i32) -> i32 {
    %c0_i32 = arith.constant 0 : i32
    %c0_i32_0 = arith.constant 0 : i32
    return %c0_i32 : i32
  }
  func.func @transform_8(%arg0: i32) -> (i32, i32) {
    %c0_i32 = arith.constant 0 : i32
    %c0_i32_0 = arith.constant 0 : i32
    %c0_i32_1 = arith.constant 0 : i32
    return %c0_i32, %c0_i32_0 : i32, i32
  }
  func.func @transform_9(%arg0: i32) -> (i32, i32) {
    %c0_i32 = arith.constant 0 : i32
    %c0_i32_0 = arith.constant 0 : i32
    %c0_i32_1 = arith.constant 0 : i32
    return %c0_i32, %c0_i32_0 : i32, i32
  }
  func.func @transform_10(%arg0: i32) -> (i32, i32) {
    %c0_i32 = arith.constant 0 : i32
    %c0_i32_0 = arith.constant 0 : i32
    return %arg0, %c0_i32 : i32, i32
  }
  func.func @transform_11(%arg0: i32) -> (i32, i32) {
    %c0_i32 = arith.constant 0 : i32
    %c0_i32_0 = arith.constant 0 : i32
    return %arg0, %c0_i32 : i32, i32
  }
}

module attributes {stable_mosaic.version = 14 : i64} {
  func.func @body(%arg0: i32, %arg1: memref<2x1000x128xbf16, #tpu.memory_space<vmem>>, %arg2: memref<2x1000x16xf32, #tpu.memory_space<vmem>>, %arg3: memref<1000x128xf32, #tpu.memory_space<vmem>>, %arg4: memref<128xf32, #tpu.memory_space<vmem>>, %arg5: memref<128xf32, #tpu.memory_space<vmem>>, %arg6: memref<128xf32, #tpu.memory_space<vmem>>, %arg7: memref<128xf32, #tpu.memory_space<vmem>>, %arg8: memref<128xf32, #tpu.memory_space<vmem>>, %arg9: memref<16x128xf32, #tpu.memory_space<vmem>>, %arg10: memref<16x128xf32, #tpu.memory_space<vmem>>, %arg11: memref<1000x16xf32, #tpu.memory_space<vmem>>, %arg12: memref<1000x16xf32, #tpu.memory_space<vmem>>) attributes {dimension_semantics = [#tpu.dimension_semantics<arbitrary>], iteration_bounds = array<i64: 10>, scalar_prefetch = 0 : i64, scratch_operands = 0 : i64, tpu.core_type = #tpu.core_type<tc>, window_params = [{transform_indices = @transform_0, window_bounds = array<i64: 2, 1000, 128>}, {transform_indices = @transform_1, window_bounds = array<i64: 2, 1000, 16>}, {transform_indices = @transform_2, window_bounds = array<i64: 1000, 128>}, {pipeline_mode = #tpu.pipeline_mode<synchronous>, transform_indices = @transform_3, window_bounds = array<i64: 128>}, {pipeline_mode = #tpu.pipeline_mode<synchronous>, transform_indices = @transform_4, window_bounds = array<i64: 128>}, {pipeline_mode = #tpu.pipeline_mode<synchronous>, transform_indices = @transform_5, window_bounds = array<i64: 128>}, {pipeline_mode = #tpu.pipeline_mode<synchronous>, transform_indices = @transform_6, window_bounds = array<i64: 128>}, {pipeline_mode = #tpu.pipeline_mode<synchronous>, transform_indices = @transform_7, window_bounds = array<i64: 128>}, {pipeline_mode = #tpu.pipeline_mode<synchronous>, transform_indices = @transform_8, window_bounds = array<i64: 16, 128>}, {pipeline_mode = #tpu.pipeline_mode<synchronous>, transform_indices = @transform_9, window_bounds = array<i64: 16, 128>}, {transform_indices = @transform_10, window_bounds = array<i64: 1000, 16>}, {transform_indices = @transform_11, window_bounds = array<i64: 1000, 16>}]} {
    %get3A = arith.constant 0 : index
    %get3A_0 = arith.constant 0 : index
    %get3A_1 = arith.constant 0 : index
    %get3A_2 = vector.load %arg1[%get3A, %get3A_0, %get3A_1] : memref<2x1000x128xbf16, #tpu.memory_space<vmem>>, vector<1x1000x128xbf16>
    %get3A_3 = vector.shape_cast %get3A_2 : vector<1x1000x128xbf16> to vector<1000x128xbf16>
    %convert_element_type3A = arith.extf %get3A_3 : vector<1000x128xbf16> to vector<1000x128xf32>
    %get3A_4 = arith.constant 1 : index
    %get3A_5 = arith.constant 0 : index
    %get3A_6 = arith.constant 0 : index
    %get3A_7 = vector.load %arg1[%get3A_4, %get3A_5, %get3A_6] : memref<2x1000x128xbf16, #tpu.memory_space<vmem>>, vector<1x1000x128xbf16>
    %get3A_8 = vector.shape_cast %get3A_7 : vector<1x1000x128xbf16> to vector<1000x128xbf16>
    %convert_element_type3A_9 = arith.extf %get3A_8 : vector<1000x128xbf16> to vector<1000x128xf32>
    %add3A = arith.addf %convert_element_type3A, %convert_element_type3A_9 : vector<1000x128xf32>
    %get3A_10 = arith.constant 0 : index
    %get3A_11 = arith.constant 0 : index
    %get3A_12 = arith.constant 0 : index
    %get3A_13 = vector.load %arg2[%get3A_10, %get3A_11, %get3A_12] : memref<2x1000x16xf32, #tpu.memory_space<vmem>>, vector<1x1000x1xf32>
    %get3A_14 = vector.shape_cast %get3A_13 : vector<1x1000x1xf32> to vector<1000x1xf32>
    %get3A_15 = arith.constant 1 : index
    %get3A_16 = arith.constant 0 : index
    %get3A_17 = arith.constant 0 : index
    %get3A_18 = vector.load %arg2[%get3A_15, %get3A_16, %get3A_17] : memref<2x1000x16xf32, #tpu.memory_space<vmem>>, vector<1x1000x1xf32>
    %get3A_19 = vector.shape_cast %get3A_18 : vector<1x1000x1xf32> to vector<1000x1xf32>
    %add3A_20 = arith.addf %get3A_14, %get3A_19 : vector<1000x1xf32>
    %get3A_21 = arith.constant 0 : index
    %get3A_22 = vector.load %arg5[%get3A_21] : memref<128xf32, #tpu.memory_space<vmem>>, vector<128xf32>
    %get3A_23 = arith.constant 0 : index
    %get3A_24 = vector.load %arg8[%get3A_23] : memref<128xf32, #tpu.memory_space<vmem>>, vector<128xf32>
    %add3A_25 = arith.constant 9.99999974E-6 : f32
    %add3A_26 = vector.broadcast %add3A_25 : f32 to vector<128xf32>
    %add3A_27 = arith.addf %get3A_24, %add3A_26 : vector<128xf32>
    %rsqrt3A = math.rsqrt %add3A_27 : vector<128xf32>
    %mul3A = arith.mulf %get3A_22, %rsqrt3A : vector<128xf32>
    %get3A_28 = arith.constant 0 : index
    %get3A_29 = vector.load %arg6[%get3A_28] : memref<128xf32, #tpu.memory_space<vmem>>, vector<128xf32>
    %get3A_30 = arith.constant 0 : index
    %get3A_31 = vector.load %arg7[%get3A_30] : memref<128xf32, #tpu.memory_space<vmem>>, vector<128xf32>
    %mul3A_32 = arith.mulf %get3A_31, %mul3A : vector<128xf32>
    %sub3A = arith.subf %get3A_29, %mul3A_32 : vector<128xf32>
    %max3A = arith.constant 1.000000e+00 : f32
    %max3A_33 = vector.broadcast %max3A : f32 to vector<1000x1xf32>
    %max3A_34 = arith.maximumf %add3A_20, %max3A_33 : vector<1000x1xf32>
    %div3A = vector.broadcast %max3A_34 : vector<1000x1xf32> to vector<1000x128xf32>
    %div3A_35 = arith.divf %add3A, %div3A : vector<1000x128xf32>
    %get3A_36 = arith.constant 0 : index
    %get3A_37 = vector.load %arg4[%get3A_36] : memref<128xf32, #tpu.memory_space<vmem>>, vector<128xf32>
    %broadcast_in_dim3A = vector.shape_cast %get3A_37 : vector<128xf32> to vector<1x128xf32>
    %add3A_38 = vector.broadcast %broadcast_in_dim3A : vector<1x128xf32> to vector<1000x128xf32>
    %add3A_39 = arith.addf %div3A_35, %add3A_38 : vector<1000x128xf32>
    %get3A_40 = arith.constant 0 : index
    %get3A_41 = arith.constant 0 : index
    %get3A_42 = vector.load %arg3[%get3A_40, %get3A_41] : memref<1000x128xf32, #tpu.memory_space<vmem>>, vector<1000x128xf32>
    %add3A_43 = arith.addf %add3A_39, %get3A_42 : vector<1000x128xf32>
    %broadcast_in_dim3A_44 = vector.shape_cast %mul3A : vector<128xf32> to vector<1x128xf32>
    %mul3A_45 = vector.broadcast %broadcast_in_dim3A_44 : vector<1x128xf32> to vector<1000x128xf32>
    %mul3A_46 = arith.mulf %add3A_43, %mul3A_45 : vector<1000x128xf32>
    %broadcast_in_dim3A_47 = vector.shape_cast %sub3A : vector<128xf32> to vector<1x128xf32>
    %add3A_48 = vector.broadcast %broadcast_in_dim3A_47 : vector<1x128xf32> to vector<1000x128xf32>
    %add3A_49 = arith.addf %mul3A_46, %add3A_48 : vector<1000x128xf32>
    %max3A_50 = arith.constant 0.000000e+00 : f32
    %max3A_51 = vector.broadcast %max3A_50 : f32 to vector<1000x128xf32>
    %max3A_52 = arith.maximumf %add3A_49, %max3A_51 : vector<1000x128xf32>
    %get3A_53 = arith.constant 0 : index
    %get3A_54 = arith.constant 0 : index
    %get3A_55 = vector.load %arg9[%get3A_53, %get3A_54] : memref<16x128xf32, #tpu.memory_space<vmem>>, vector<16x128xf32>
    %dot_general3A = arith.constant dense<0.000000e+00> : vector<1000x16xf32>
    %dot_general3A_56 = tpu.matmul %max3A_52, %get3A_55, %dot_general3A {dimension_numbers = #tpu.dot_dimension_numbers<[1], [1], [0], [0], [0, 0, 1, 0], [], []>, transpose_lhs_hint = false} : vector<1000x128xf32>, vector<16x128xf32>, vector<1000x16xf32> -> vector<1000x16xf32>
    %swap3A = arith.constant 0 : index
    %swap3A_57 = arith.constant 0 : index
    %swap3A_58 = vector.load %arg11[%swap3A, %swap3A_57] : memref<1000x16xf32, #tpu.memory_space<vmem>>, vector<1000x16xf32>
    tpu.vector_store %arg11[%swap3A, %swap3A_57], %dot_general3A_56 {strides = array<i32>} : memref<1000x16xf32, #tpu.memory_space<vmem>>, vector<1000x16xf32>,
    %get3A_59 = arith.constant 0 : index
    %get3A_60 = arith.constant 0 : index
    %get3A_61 = vector.load %arg10[%get3A_59, %get3A_60] : memref<16x128xf32, #tpu.memory_space<vmem>>, vector<16x128xf32>
    %dot_general3A_62 = arith.constant dense<0.000000e+00> : vector<1000x16xf32>
    %dot_general3A_63 = tpu.matmul %max3A_52, %get3A_61, %dot_general3A_62 {dimension_numbers = #tpu.dot_dimension_numbers<[1], [1], [0], [0], [0, 0, 1, 0], [], []>, transpose_lhs_hint = false} : vector<1000x128xf32>, vector<16x128xf32>, vector<1000x16xf32> -> vector<1000x16xf32>
    %swap3A_64 = arith.constant 0 : index
    %swap3A_65 = arith.constant 0 : index
    %swap3A_66 = vector.load %arg12[%swap3A_64, %swap3A_65] : memref<1000x16xf32, #tpu.memory_space<vmem>>, vector<1000x16xf32>
    tpu.vector_store %arg12[%swap3A_64, %swap3A_65], %dot_general3A_63 {strides = array<i32>} : memref<1000x16xf32, #tpu.memory_space<vmem>>, vector<1000x16xf32>,
    return
  }
  func.func @transform_0(%arg0: i32) -> (i32, i32, i32) {
    %c0_i32 = arith.constant 0 : i32
    %c0_i32_0 = arith.constant 0 : i32
    %c0_i32_1 = arith.constant 0 : i32
    return %c0_i32, %arg0, %c0_i32_0 : i32, i32, i32
  }
  func.func @transform_1(%arg0: i32) -> (i32, i32, i32) {
    %c0_i32 = arith.constant 0 : i32
    %c0_i32_0 = arith.constant 0 : i32
    %c0_i32_1 = arith.constant 0 : i32
    return %c0_i32, %arg0, %c0_i32_0 : i32, i32, i32
  }
  func.func @transform_2(%arg0: i32) -> (i32, i32) {
    %c0_i32 = arith.constant 0 : i32
    %c0_i32_0 = arith.constant 0 : i32
    return %arg0, %c0_i32 : i32, i32
  }
  func.func @transform_3(%arg0: i32) -> i32 {
    %c0_i32 = arith.constant 0 : i32
    %c0_i32_0 = arith.constant 0 : i32
    return %c0_i32 : i32
  }
  func.func @transform_4(%arg0: i32) -> i32 {
    %c0_i32 = arith.constant 0 : i32
    %c0_i32_0 = arith.constant 0 : i32
    return %c0_i32 : i32
  }
  func.func @transform_5(%arg0: i32) -> i32 {
    %c0_i32 = arith.constant 0 : i32
    %c0_i32_0 = arith.constant 0 : i32
    return %c0_i32 : i32
  }
  func.func @transform_6(%arg0: i32) -> i32 {
    %c0_i32 = arith.constant 0 : i32
    %c0_i32_0 = arith.constant 0 : i32
    return %c0_i32 : i32
  }
  func.func @transform_7(%arg0: i32) -> i32 {
    %c0_i32 = arith.constant 0 : i32
    %c0_i32_0 = arith.constant 0 : i32
    return %c0_i32 : i32
  }
  func.func @transform_8(%arg0: i32) -> (i32, i32) {
    %c0_i32 = arith.constant 0 : i32
    %c0_i32_0 = arith.constant 0 : i32
    %c0_i32_1 = arith.constant 0 : i32
    return %c0_i32, %c0_i32_0 : i32, i32
  }
  func.func @transform_9(%arg0: i32) -> (i32, i32) {
    %c0_i32 = arith.constant 0 : i32
    %c0_i32_0 = arith.constant 0 : i32
    %c0_i32_1 = arith.constant 0 : i32
    return %c0_i32, %c0_i32_0 : i32, i32
  }
  func.func @transform_10(%arg0: i32) -> (i32, i32) {
    %c0_i32 = arith.constant 0 : i32
    %c0_i32_0 = arith.constant 0 : i32
    return %arg0, %c0_i32 : i32, i32
  }
  func.func @transform_11(%arg0: i32) -> (i32, i32) {
    %c0_i32 = arith.constant 0 : i32
    %c0_i32_0 = arith.constant 0 : i32
    return %arg0, %c0_i32 : i32, i32
  }
}

module attributes {stable_mosaic.version = 14 : i64} {
  func.func @body(%arg0: i32, %arg1: memref<2x1000x16xf32, #tpu.memory_space<vmem>>, %arg2: memref<2x1000x16xf32, #tpu.memory_space<vmem>>, %arg3: memref<1000x16xf32, #tpu.memory_space<vmem>>, %arg4: memref<16xf32, #tpu.memory_space<vmem>>, %arg5: memref<1000x2xf32, #tpu.memory_space<vmem>>) attributes {dimension_semantics = [#tpu.dimension_semantics<arbitrary>], iteration_bounds = array<i64: 10>, scalar_prefetch = 0 : i64, scratch_operands = 0 : i64, tpu.core_type = #tpu.core_type<tc>, window_params = [{transform_indices = @transform_0, window_bounds = array<i64: 2, 1000, 16>}, {transform_indices = @transform_1, window_bounds = array<i64: 2, 1000, 16>}, {transform_indices = @transform_2, window_bounds = array<i64: 1000, 16>}, {pipeline_mode = #tpu.pipeline_mode<synchronous>, transform_indices = @transform_3, window_bounds = array<i64: 16>}, {transform_indices = @transform_4, window_bounds = array<i64: 1000, 2>}]} {
    %get3A = arith.constant 0 : index
    %get3A_0 = arith.constant 0 : index
    %get3A_1 = arith.constant 0 : index
    %get3A_2 = vector.load %arg1[%get3A, %get3A_0, %get3A_1] : memref<2x1000x16xf32, #tpu.memory_space<vmem>>, vector<1x1000x16xf32>
    %get3A_3 = vector.shape_cast %get3A_2 : vector<1x1000x16xf32> to vector<1000x16xf32>
    %get3A_4 = arith.constant 1 : index
    %get3A_5 = arith.constant 0 : index
    %get3A_6 = arith.constant 0 : index
    %get3A_7 = vector.load %arg1[%get3A_4, %get3A_5, %get3A_6] : memref<2x1000x16xf32, #tpu.memory_space<vmem>>, vector<1x1000x16xf32>
    %get3A_8 = vector.shape_cast %get3A_7 : vector<1x1000x16xf32> to vector<1000x16xf32>
    %add3A = arith.addf %get3A_3, %get3A_8 : vector<1000x16xf32>
    %get3A_9 = arith.constant 0 : index
    %get3A_10 = arith.constant 0 : index
    %get3A_11 = arith.constant 0 : index
    %get3A_12 = vector.load %arg2[%get3A_9, %get3A_10, %get3A_11] : memref<2x1000x16xf32, #tpu.memory_space<vmem>>, vector<1x1000x1xf32>
    %get3A_13 = vector.shape_cast %get3A_12 : vector<1x1000x1xf32> to vector<1000x1xf32>
    %get3A_14 = arith.constant 1 : index
    %get3A_15 = arith.constant 0 : index
    %get3A_16 = arith.constant 0 : index
    %get3A_17 = vector.load %arg2[%get3A_14, %get3A_15, %get3A_16] : memref<2x1000x16xf32, #tpu.memory_space<vmem>>, vector<1x1000x1xf32>
    %get3A_18 = vector.shape_cast %get3A_17 : vector<1x1000x1xf32> to vector<1000x1xf32>
    %add3A_19 = arith.addf %get3A_13, %get3A_18 : vector<1000x1xf32>
    %max3A = arith.constant 1.000000e+00 : f32
    %max3A_20 = vector.broadcast %max3A : f32 to vector<1000x1xf32>
    %max3A_21 = arith.maximumf %add3A_19, %max3A_20 : vector<1000x1xf32>
    %div3A = vector.broadcast %max3A_21 : vector<1000x1xf32> to vector<1000x16xf32>
    %div3A_22 = arith.divf %add3A, %div3A : vector<1000x16xf32>
    %get3A_23 = arith.constant 0 : index
    %get3A_24 = vector.load %arg4[%get3A_23] : memref<16xf32, #tpu.memory_space<vmem>>, vector<16xf32>
    %broadcast_in_dim3A = vector.shape_cast %get3A_24 : vector<16xf32> to vector<1x16xf32>
    %add3A_25 = vector.broadcast %broadcast_in_dim3A : vector<1x16xf32> to vector<1000x16xf32>
    %add3A_26 = arith.addf %div3A_22, %add3A_25 : vector<1000x16xf32>
    %get3A_27 = arith.constant 0 : index
    %get3A_28 = arith.constant 0 : index
    %get3A_29 = vector.load %arg3[%get3A_27, %get3A_28] : memref<1000x16xf32, #tpu.memory_space<vmem>>, vector<1000x16xf32>
    %add3A_30 = arith.addf %add3A_26, %get3A_29 : vector<1000x16xf32>
    %slice3A = vector.extract_strided_slice %add3A_30 {offsets = [0, 0], sizes = [1000, 2], strides = [1, 1]} : vector<1000x16xf32> to vector<1000x2xf32>
    %swap3A = arith.constant 0 : index
    %swap3A_31 = arith.constant 0 : index
    %swap3A_32 = vector.load %arg5[%swap3A, %swap3A_31] : memref<1000x2xf32, #tpu.memory_space<vmem>>, vector<1000x2xf32>
    tpu.vector_store %arg5[%swap3A, %swap3A_31], %slice3A {strides = array<i32>} : memref<1000x2xf32, #tpu.memory_space<vmem>>, vector<1000x2xf32>,
    return
  }
  func.func @transform_0(%arg0: i32) -> (i32, i32, i32) {
    %c0_i32 = arith.constant 0 : i32
    %c0_i32_0 = arith.constant 0 : i32
    %c0_i32_1 = arith.constant 0 : i32
    return %c0_i32, %arg0, %c0_i32_0 : i32, i32, i32
  }
  func.func @transform_1(%arg0: i32) -> (i32, i32, i32) {
    %c0_i32 = arith.constant 0 : i32
    %c0_i32_0 = arith.constant 0 : i32
    %c0_i32_1 = arith.constant 0 : i32
    return %c0_i32, %arg0, %c0_i32_0 : i32, i32, i32
  }
  func.func @transform_2(%arg0: i32) -> (i32, i32) {
    %c0_i32 = arith.constant 0 : i32
    %c0_i32_0 = arith.constant 0 : i32
    return %arg0, %c0_i32 : i32, i32
  }
  func.func @transform_3(%arg0: i32) -> i32 {
    %c0_i32 = arith.constant 0 : i32
    %c0_i32_0 = arith.constant 0 : i32
    return %c0_i32 : i32
  }
  func.func @transform_4(%arg0: i32) -> (i32, i32) {
    %c0_i32 = arith.constant 0 : i32
    %c0_i32_0 = arith.constant 0 : i32
    return %arg0, %c0_i32 : i32, i32
  }
}

</mosaic_0001>

<sc_bundles>
// kernel: kernel.12.cloned.1.call-start
scs
__scs_entry_jumppad:
0x0: {  	(pc) =	sbr.rel $0x88, $3  }
0x1: {  	(tag) =	ssettag $0x0;
	lr =	simm.s32 $0x1  }
0x2: {  	[smem:$0x3F8E] =	sst lr;
	_ =	strace $0xD0000000  }
0x3: {  	_ = 	snop  }
0x4: {  	_ = 	snop  }
0x5: {  	_ = 	snop  }
0x6: {  	_ = 	snop  }
0x7: {  	_ = 	snop  }
__scs_overlays_trampoline_lowered:
0x8: {  	[smem:$0x3F9D] =	sst s0  }
0x9: {  	[smem:$0x3F9E] =	sst s1  }
0xa: {  	[smem:$0x3F9F] =	sst s2  }
0xb: {  	[smem:$0x3FA0] =	sst s3  }
0xc: {  	[smem:$0x3FA1] =	sst s4  }
0xd: {  	[smem:$0x3FA2] =	sst s5  }
0xe: {  	[smem:$0x3FA3] =	sst s6  }
0xf: {  	[smem:$0x3FA4] =	sst s7  }
0x10: {  	[smem:$0x3FA5] =	sst s8  }
0x11: {  	[smem:$0x3FA6] =	sst s9;
	s0 =	simm.s32 @!p0 $0x0  }
0x12: {  	s1 =	sld [smem:$0x3F8C];
	s0 =	simm.s32 @p0 $0x1  }
0x13: {  	[smem:$0x3FA7] =	sst s0;
	s0 =	simm.s32 @!p1 $0x0  }
0x14: {  	s2 =	sld [smem:$0x3F8B];
	s0 =	simm.s32 @p1 $0x1  }
0x15: {  	[smem:$0x3FA8] =	sst s0;
	s0 =	simm.s32 @!p2 $0x0  }
0x16: {  	s3 =	sld [smem:$0x3FDB];
	s0 =	simm.s32 @p2 $0x1  }
0x17: {  	s4 =	simm.s32 $0x1BF5;
	[smem:$0x3FAA] =	sst s0  }
0x18: {  	s0 =	sld [smem:$0x3F8D];
	_ =	swait.ge [sflag:s4], $0x0  }
0x19: {  	s7 =	sld [smem:$0x3F8E]  }
0x1a: {  	s8 =	sadd.s32 $0xFFFFE003, lr  }
0x1b: {  	s9 =	sadd.s32 $0xFFFFFEF7, lr;
	s5 =	simm.s32 $0xFFFFFFFF;
	p2 =	slt.u32 s8, $0xFFFFF086  }
0x1c: {  	p1 =	slt.u32 s9, $0xF7A;
	s5 =	simm.s32 @!p2 $0x0  }
0x1d: {  	s5 =	simm.s32 @p1 $0x1;
	p0 =	seq.s32 s7, s2  }
0x1e: {  	s7 =	smul.u32 @!p0 $0xF7A, s2;
	p2 =	seq.s32 @!p0 s5, $0x0  }
0x1f: {  	s9 =	smul.u32 $0xF7A, s1;
	s8 =	simm.s32 @!p0 $0x1BF5;
	p2 =	por !p2, p0  }
0x20: {  	[sflag:s8] =	ssyncset.s32 @!p0 $0xFFFFF086;
	s6 =	sadd.s32 @!p0 s3, s7;
	s7 =	simm.s32 @!p0 $0x108  }
0x21: {  	s3 =	sadd.s32 s3, s9;
	s6 =	sadd.s32 @!p0 $0x88, s6;
	s7 =	simm.s32 @p2 $0x1082  }
0x22: {  	[simem:s7], [sflag:s8] =	dma.local @!p0 [hbm:s6], $0xF7A  }
0x23: {  	s9 =	sor.u32 $0xD0000000, s2;
	s6 =	simm.s32 $0x108;
	_ =	swait.ge @!p0 [sflag:s8], $0x0  }
0x24: {  	s3 =	sadd.s32 $0x88, s3;
	s6 =	simm.s32 @!p1 $0x1082;
	[sflag:s4] =	ssyncset.s32 $0xFFFFF086  }
0x25: {  	[simem:s6], [sflag:s4] =	dma.local [hbm:s3], $0xF7A  }
0x26: {  	[smem:$0x3F8E] =	sst s1;
	(tag) =	ssettag s2;
	_ =	strace s9  }
0x27: {  	s1 =	sld [smem:$0x3F9E]  }
0x28: {  	s2 =	sld [smem:$0x3F9F]  }
0x29: {  	s4 =	sld [smem:$0x3FA1]  }
0x2a: {  	p0 =	seq.s32 s5, $0x0;
	s5 =	sld [smem:$0x3FA2]  }
0x2b: {  	s6 =	sld [smem:$0x3FA3]  }
0x2c: {  	s7 =	sld [smem:$0x3FA4]  }
0x2d: {  	s3 =	simm.s32 $0x108;
	s8 =	sld [smem:$0x3FA5]  }
0x2e: {  	s3 =	simm.s32 @!p0 $0x1082;
	s9 =	sld [smem:$0x3FA6]  }
0x2f: {  	lr =	sadd.s32 s0, s3;
	s0 =	sld [smem:$0x3F9D]  }
0x30: {  	s3 =	sld [smem:$0x3FA0]  }
0x31: {  	[smem:$0x3FA9] =	sst s10  }
0x32: {  	s10 =	sld [smem:$0x3FA7];
	_ =	sdelay $0x3  }
0x33: {  	p0 =	seq.s32 s10, $0x1;
	s10 =	sld [smem:$0x3FA9];
	_ =	sdelay $0x3  }
0x34: {  	[smem:$0x3FA9] =	sst s10  }
0x35: {  	s10 =	sld [smem:$0x3FA8];
	_ =	sdelay $0x3  }
0x36: {  	p1 =	seq.s32 s10, $0x1;
	s10 =	sld [smem:$0x3FA9];
	_ =	sdelay $0x3  }
0x37: {  	[smem:$0x3FA9] =	sst s10  }
0x38: {  	s10 =	sld [smem:$0x3FAA]  }
0x39: {  	_ = 	snop;
	(pc) =	sbr.ind lr, $3  }
0x3a: {  	_ = 	snop  }
0x3b: {  	_ = 	snop  }
0x3c: {  	p2 =	seq.s32 s10, $0x1;
	s10 =	sld [smem:$0x3FA9]  }
0x3d: {  	_ =	shalt  }
0x3e: {  	_ =	shalt  }
0x3f: {  	_ =	shalt  }
0x40: {  	_ =	shalt  }
0x41: {  	_ =	shalt  }
0x42: {  	_ =	shalt  }
0x43: {  	_ =	shalt  }
0x44: {  	_ =	shalt  }
0x45: {  	_ =	shalt  }
0x46: {  	_ =	shalt  }
0x47: {  	_ =	shalt  }
0x48: {  	_ =	shalt  }
0x49: {  	_ =	shalt  }
0x4a: {  	_ =	shalt  }
0x4b: {  	_ =	shalt  }
0x4c: {  	_ =	shalt  }
0x4d: {  	_ =	shalt  }
0x4e: {  	_ =	shalt  }
0x4f: {  	_ =	shalt  }
0x50: {  	_ =	shalt  }
0x51: {  	_ =	shalt  }
0x52: {  	_ =	shalt  }
0x53: {  	_ =	shalt  }
0x54: {  	_ =	shalt  }
0x55: {  	_ =	shalt  }
0x56: {  	_ =	shalt  }
0x57: {  	_ =	shalt  }
0x58: {  	_ =	shalt  }
0x59: {  	_ =	shalt  }
0x5a: {  	_ =	shalt  }
0x5b: {  	_ =	shalt  }
0x5c: {  	_ =	shalt  }
0x5d: {  	_ =	shalt  }
0x5e: {  	_ =	shalt  }
0x5f: {  	_ =	shalt  }
0x60: {  	_ =	shalt  }
0x61: {  	_ =	shalt  }
0x62: {  	_ =	shalt  }
0x63: {  	_ =	shalt  }
0x64: {  	_ =	shalt  }
0x65: {  	_ =	shalt  }
0x66: {  	_ =	shalt  }
0x67: {  	_ =	shalt  }
0x68: {  	_ =	shalt  }
0x69: {  	_ =	shalt  }
0x6a: {  	_ =	shalt  }
0x6b: {  	_ =	shalt  }
0x6c: {  	_ =	shalt  }
0x6d: {  	_ =	shalt  }
0x6e: {  	_ =	shalt  }
0x6f: {  	_ =	shalt  }
0x70: {  	_ =	shalt  }
0x71: {  	_ =	shalt  }
0x72: {  	_ =	shalt  }
0x73: {  	_ =	shalt  }
0x74: {  	_ =	shalt  }
0x75: {  	_ =	shalt  }
0x76: {  	_ =	shalt  }
0x77: {  	_ =	shalt  }
0x78: {  	_ =	shalt  }
0x79: {  	_ =	shalt  }
0x7a: {  	_ =	shalt  }
0x7b: {  	_ =	shalt  }
0x7c: {  	_ =	shalt  }
0x7d: {  	_ =	shalt  }
0x7e: {  	_ =	shalt  }
0x7f: {  	_ =	shalt  }
0x80: {  	_ =	shalt  }
0x81: {  	_ =	shalt  }
0x82: {  	_ =	shalt  }
0x83: {  	_ =	shalt  }
0x84: {  	_ =	shalt  }
0x85: {  	_ =	shalt  }
0x86: {  	_ =	shalt  }
0x87: {  	_ =	shalt  }
.Lfunc_end0:
.L_simem_size_0:
called_computation.1_lowered:
.L_overlay_start_0:
0x88: {  	s2 =	sld [smem:$0x3FD9]  }
0x89: {  	s3 =	sld [smem:$0x3FFE];
	_ =	sdelay $0x1  }
0x8a: {  	s1 =	srdreg.scid  }
0x8b: {  	s0 =	sand.u32 $0x1, s1  }
0x8c: {  	s16 =	sshll.u32 s0, $0xA;
	s2 =	sadd.s32 s3, s2  }
0x8d: {  	s2 =	sadd.s32 s2, s16  }
0x8e: {  	[smem:$0x3FB5] =	sst s2  }
0x8f: {  	_ = 	snop  }
0x90: {  	(tm) =	ssettm $0x1  }
0x91: {  	s17 =	sld [smem:$0x3FFB];
	_ =	sdelay $0x3  }
0x92: {  	_ =	strace s17  }
0x93: {  	s2 =	sld [smem:$0x3FFC];
	_ =	sdelay $0x3  }
0x94: {  	_ =	strace s2  }
0x95: {  	s2 =	sld [smem:$0x3FFD];
	_ =	sdelay $0x3  }
0x96: {  	_ =	strace s2  }
0x97: {  	_ =	strace $0x8FFFFFFF  }
0x98: {  	s18 =	sld [smem:$0x3FDB];
	_ =	sdelay $0x1  }
0x99: {  	s19 =	simm.s32 $_scs_section_size  }
0x9a: {  	s4 =	simm.s32 $_size__tile_overlayer_lowered;
	s5 =	simm.s32 $_tile_overlayer_lowered  }
0x9b: {  	s22 =	simm.s32 $0x1BFF;
	s21 =	sshll.u32 s5, $0x1;
	s2 =	sadd.s32 s19, s18  }
0x9c: {  	s6 =	simm.s32 $0x0;
	s20 =	sshll.u32 s4, $0x1;
	s4 =	sadd.s32 s21, s2  }
0x9d: {  	[timem:s6], [sflag:s22] =	dma.local [hbm:s4], s20  }
0x9e: {  	_ =	swait.ge [sflag:s22], s20  }
0x9f: {  	s3 =	ssub.s32 $0x0, s20;
	[sflag:s22] =	ssyncset.done $0x0  }
0xa0: {  	[sflag:s22] =	ssyncadd.s32 s3;
	_ =	sdelay $0x1  }
0xa1: {  	s23 =	simm.s32 $0x1B8B  }
0xa2: {  	_ =	swait.ge [sflag:s23], $0x1  }
0xa3: {  	[sflag:s23] =	ssyncset.done $0x0  }
0xa4: {  	s25 =	simm.s32 $0x1B8E;
	s24 =	sld [smem:$0x3FFE];
	[sflag:s23] =	ssyncadd.s32 $0xFFFFFFFF  }
0xa5: {  	s26 =	simm.s32 $execute0_lowered;
	[smem:$0x3FD2] =	sst s25  }
0xa6: {  	s4 =	sshll.u32 s26, $0x1;
	_ =	strace $0x80000049;
	[dreg:$0x1] =	wrdreg $0xFFFFFFFF  }
0xa7: {  	s28 =	simm.s32 $_size_execute0_lowered;
	s2 =	sadd.s32 s2, s4;
	[dreg:$0x0] =	wrdreg $0x0  }
0xa8: {  	s4 =	sshll.u32 s28, $0x1;
	[dreg:$0x2] =	wrdreg s2  }
0xa9: {  	[dreg:$0x3] =	wrdreg s4  }
0xaa: {  	[dreg:$0x4] =	wrdreg $0xC0  }
0xab: {  	_ =	task [dreg:s6], $0x5FFFF  }
0xac: {  	[dreg:$0x1] =	wrdreg $0xFFFFFFFF  }
0xad: {  	[dreg:$0x0] =	wrdreg $0x60  }
0xae: {  	[dreg:$0x2] =	wrdreg s24  }
0xaf: {  	[dreg:$0x3] =	wrdreg $0x90000  }
0xb0: {  	[dreg:$0x4] =	wrdreg $0x9  }
0xb1: {  	_ =	task.clear_ibuf [dreg:s6], $0x5FFFF;
	_ =	strace $0x90000049  }
0xb2: {  	s29 =	simm.s32 $0x9;
	_ =	strace $0x8000004B  }
0xb3: {  	_ =	swait.ge [sflag:s29], $0x1  }
0xb4: {  	[sflag:s29] =	ssyncadd.s32 $0xFFFFFFFF  }
0xb5: {  	_ =	strace $0x9000004B  }
0xb6: {  	_ =	sfence  }
0xb7: {  	s30 =	sld [smem:$0x0];
	_ =	sdelay $0x2  }
0xb8: {  	s31 =	sshll.u32 s1, $0xD;
	s1 =	sshrl.u32 s1, $0x2  }
0xb9: {  	s3 =	sand.u32 $0x4000, s31;
	s1 =	sadd.s32 s1, s30  }
0xba: {  	s0 =	sor.u32 s3, s0;
	s1 =	sshll.u32 s1, $0x11  }
0xbb: {  	s0 =	sor.u32 s1, s0  }
0xbc: {  	s0 =	sadd.s32 $0x8F2B, s0  }
0xbd: {  	[sflag:s0] =	ssyncadd.remote.s32 $0x1  }
0xbe: {  	_ =	sfence.sel $0xFFFF  }
0xbf: {  	[dreg:$0x0] =	wrdreg $0xFFFFFFFF;
	(pc) =	sbr.abs _section_cstart, $3  }
0xc0: {  	[dreg:$0x1] =	wrdreg $0xFFFFFFFF  }
0xc1: {  	_ =	task.clear_ibuf [dreg:s6], $0x2FFFF;
	_ =	strace $0x9FFFFFFF  }
0xc2: {  	(tm) =	ssettm $0x7FFFFFFF  }
0xc3: {  	_ =	shalt  }
tec
execute0_lowered:
.L_overlay_start_1:
0x0: {  	(tag) =	ssettag $0x1  }
0x1: {  	s6 =	rddreg [dreg:$0x0];
	s0 =	srdreg.scid  }
0x2: {  	s2 =	rddreg [dreg:$0x1];
	s1 =	stileid.u32  }
0x3: {  	s3 =	simm.s32 $0x0;
	s14 =	simm.s32 $0x80;
	s15 =	simm.s32 $0x5000  }
0x4: {  	s16 =	simm.s32 $0x7000;
	s17 =	simm.s32 $0x1;
	s18 =	simm.s32 $0x2  }
0x5: {  	s19 =	simm.s32 $0x2780;
	s20 =	simm.s32 $0x4F00;
	s21 =	simm.s32 $0x4F80  }
0x6: {  	s22 =	simm.s32 $0x0;
	s5 =	sand.u32 $0x1, s0;
	s0 =	rddreg [dreg:$0x2]  }
0x7: {  	s7 =	smul.u32 $0x14000, s1;
	[smem:$0x7FF] =	sst s3;
	s12 =	sshll.u32 s1, $0x6  }
0x8: {  	s4 =	sshll.u32 s5, $0x4;
	s8 =	smul.u32 $0x140000, s5;
	_ =	strace $0x8000004A  }
0x9: {  	s10 =	ssub.s32 $0x2, s5;
	s5 =	sadd.s32 $0x17000, s6;
	s12 =	sor.u32 $0x1C03, s12  }
0xa: {  	s4 =	sor.u32 s1, s4;
	s31 =	sshrl.u32 s10, $0x1;
	s11 =	sshrl.u32 s7, $0x1  }
0xb: {  	s9 =	smul.u32 $0x500, s4;
	s4 =	sadd.s32 $0x3600, s6;
	s8 =	sadd.s32 s7, s8  }
0xc: {  	s10 =	ssub.s32 s10, s31;
	s13 =	sadd.s32 s11, s2;
	s11 =	simm.s32 $0x2800  }
0xd: {  	s8 =	sshrl.u32 s8, $0x4;
	s13 =	sshrl.u32 s13, $0x3;
	s9 =	sadd.s32 s9, s6  }
0xe: {  	s8 =	sadd.s32 s8, s6;
	s6 =	sadd.s32 $0x18400, s9;
	s7 =	sadd.s32 $0x22400, s9  }
0xf: {  	s8 =	sadd.s32 $0x2C600, s8;
	s9 =	smax.u32 s10, $0x1;
	s10 =	simm.s32 $0x3  }
.LBB2_1:
0x10: {  	[tilespmem:s3], [sflag:$0x3] =	stream.linear.gather [hbm4b:s6+s3], $0x2800, $0x38;
	[tilespmem:$0x13000] =	vst v63  }
0x11: {  	_ =	swait.ge [sflag:s10], $0x2800  }
0x12: {  	[sflag:s10] =	ssyncset.done $0x0  }
0x13: {  	[sflag:s10] =	ssyncadd.s32 $0xFFFFD800  }
0x14: {  	[tilespmem:s11], [sflag:$0x3] =	stream.linear.gather [hbm4b:s7+s3], $0x2800, $0x38;
	[tilespmem:$0x13000] =	vst v63  }
0x15: {  	_ =	swait.ge [sflag:s10], $0x2800  }
0x16: {  	[sflag:s10] =	ssyncset.done $0x0  }
0x17: {  	[sflag:s10] =	ssyncadd.s32 $0xFFFFD800  }
0x18: {  	[spmem:s13], [sflag:s12] =	dma.local [hbm:s5], $0x1400  }
0x19: {  	_ =	swait.ge [sflag:s10], $0x1400  }
0x1a: {  	[sflag:s10] =	ssyncset.done $0x0  }
0x1b: {  	[sflag:s10] =	ssyncadd.s32 $0xFFFFEC00  }
0x1c: {  	[bflag:$0x0] =	sbarrier.arrive $0xFFFF  }
0x1d: {  	[tilespmem:s15], [sflag:$0x1] =	stream.indirect.gather [hbm4b:s4+s14], $0x40, s3, s14, $0xb8;
	[tilespmem:$0x13000] =	vst v63  }
0x1e: {  	s23 =	simm.s32 $0x80  }
0x1f: {  	[tilespmem:s16], [sflag:$0x2] =	stream.indirect.gather [hbm4b:s4+s14], $0x40, s23, s14, $0xb8;
	[tilespmem:$0x13000] =	vst v63  }
0x20: {  	_ =	swait.ge [sflag:s17], $0x2000  }
0x21: {  	[sflag:s17] =	ssyncset.done $0x0  }
0x22: {  	s29 =	simm.s32 $0x2800;
	[sflag:s17] =	ssyncadd.s32 $0xFFFFE000  }
0x23: {  	[spmem:s2] =	stream.indirect.scatter.add.bf16 [tilespmem:s15], [sflag:$0x3], $0x40, s29, s14, $0xb8;
	[tilespmem:$0x13000] =	vst v63  }
0x24: {  	_ =	swait.ge [sflag:s10], $0x2000  }
0x25: {  	[sflag:s10] =	ssyncset.done $0x0  }
0x26: {  	s30 =	simm.s32 $0x100;
	[sflag:s10] =	ssyncadd.s32 $0xFFFFE000  }
0x27: {  	[tilespmem:s15], [sflag:$0x1] =	stream.indirect.gather [hbm4b:s4+s14], $0x40, s30, s14, $0xb8;
	[tilespmem:$0x13000] =	vst v63  }
0x28: {  	_ =	swait.ge [sflag:s18], $0x2000  }
0x29: {  	[sflag:s18] =	ssyncset.done $0x0  }
0x2a: {  	s31 =	simm.s32 $0x2880;
	[sflag:s18] =	ssyncadd.s32 $0xFFFFE000  }
0x2b: {  	[spmem:s2] =	stream.indirect.scatter.add.bf16 [tilespmem:s16], [sflag:$0x3], $0x40, s31, s14, $0xb8;
	[tilespmem:$0x13000] =	vst v63  }
0x2c: {  	_ =	swait.ge [sflag:s10], $0x2000  }
0x2d: {  	s24 =	simm.s32 $0x800;
	s23 =	simm.s32 $0x100;
	[sflag:s10] =	ssyncset.done $0x0  }
.LBB2_2:
0x2e: {  	s25 =	sadd.s32 $0x80, s23  }
0x2f: {  	[sflag:s10] =	ssyncadd.s32 $0xFFFFE000;
	s26 =	smov.u32 s24;
	s28 =	sadd.s32 $0x400, s24  }
0x30: {  	[tilespmem:s16], [sflag:$0x2] =	stream.indirect.gather [hbm4b:s4+s14], $0x40, s25, s14, $0xb8;
	[tilespmem:$0x13000] =	vst v63  }
0x31: {  	p0 =	sne.s32 s24, $0x9800;
	_ =	swait.ge [sflag:s17], $0x2000  }
0x32: {  	[sflag:s17] =	ssyncset.done $0x0  }
0x33: {  	s24 =	sadd.s32 $0x2800, s23;
	[sflag:s17] =	ssyncadd.s32 $0xFFFFE000  }
0x34: {  	[spmem:s2] =	stream.indirect.scatter.add.bf16 [tilespmem:s15], [sflag:$0x3], $0x40, s24, s14, $0xb8;
	[tilespmem:$0x13000] =	vst v63  }
0x35: {  	_ =	swait.ge [sflag:s10], $0x2000  }
0x36: {  	[sflag:s10] =	ssyncset.done $0x0  }
0x37: {  	s24 =	sadd.s32 $0x100, s23;
	[sflag:s10] =	ssyncadd.s32 $0xFFFFE000  }
0x38: {  	[tilespmem:s15], [sflag:$0x1] =	stream.indirect.gather [hbm4b:s4+s14], $0x40, s24, s14, $0xb8;
	[tilespmem:$0x13000] =	vst v63  }
0x39: {  	_ =	swait.ge [sflag:s18], $0x2000  }
.Ltmp0:
0x3a: {  	[sflag:s18] =	ssyncset.done $0x0;
	(pc) =	sbr.rel @p0 .LBB2_2-.Ltmp0, $4  }
0x3b: {  	s23 =	sadd.s32 $0x2880, s23;
	[sflag:s18] =	ssyncadd.s32 $0xFFFFE000  }
0x3c: {  	[spmem:s2] =	stream.indirect.scatter.add.bf16 [tilespmem:s16], [sflag:$0x3], $0x40, s23, s14, $0xb8;
	[tilespmem:$0x13000] =	vst v63  }
0x3d: {  	_ =	swait.ge [sflag:s10], $0x2000  }
0x3e: {  	s24 =	smov.u32 s28;
	s23 =	sshra.s32 s26, $0x2;
	[sflag:s10] =	ssyncset.done $0x0  }
0x3f: {  	s24 =	sadd.s32 $0x80, s23;
	[sflag:s10] =	ssyncadd.s32 $0xFFFFE000  }
0x40: {  	[tilespmem:s16], [sflag:$0x2] =	stream.indirect.gather [hbm4b:s4+s14], $0x40, s24, s14, $0xb8;
	[tilespmem:$0x13000] =	vst v63  }
0x41: {  	_ =	swait.ge [sflag:s17], $0x2000  }
0x42: {  	[sflag:s17] =	ssyncset.done $0x0  }
0x43: {  	s29 =	sadd.s32 $0x2800, s23;
	[sflag:s17] =	ssyncadd.s32 $0xFFFFE000  }
0x44: {  	[spmem:s2] =	stream.indirect.scatter.add.bf16 [tilespmem:s15], [sflag:$0x3], $0x40, s29, s14, $0xb8;
	[tilespmem:$0x13000] =	vst v63  }
0x45: {  	_ =	swait.ge [sflag:s10], $0x2000  }
0x46: {  	[sflag:s10] =	ssyncset.done $0x0  }
0x47: {  	s30 =	sadd.s32 $0x100, s23;
	[sflag:s10] =	ssyncadd.s32 $0xFFFFE000  }
0x48: {  	[tilespmem:s15], [sflag:$0x1] =	stream.indirect.gather [hbm4b:s4+s14], $0x40, s30, s14, $0xb8;
	[tilespmem:$0x13000] =	vst v63  }
0x49: {  	_ =	swait.ge [sflag:s18], $0x2000  }
0x4a: {  	[sflag:s18] =	ssyncset.done $0x0  }
0x4b: {  	s31 =	sadd.s32 $0x2880, s23;
	[sflag:s18] =	ssyncadd.s32 $0xFFFFE000  }
0x4c: {  	[spmem:s2] =	stream.indirect.scatter.add.bf16 [tilespmem:s16], [sflag:$0x3], $0x40, s31, s14, $0xb8;
	[tilespmem:$0x13000] =	vst v63  }
0x4d: {  	_ =	swait.ge [sflag:s10], $0x2000  }
0x4e: {  	[sflag:s10] =	ssyncset.done $0x0  }
0x4f: {  	[sflag:s10] =	ssyncadd.s32 $0xFFFFE000  }
0x50: {  	[tilespmem:s16], [sflag:$0x2] =	stream.indirect.gather [hbm4b:s4+s14], $0x40, s19, s14, $0xb8;
	[tilespmem:$0x13000] =	vst v63  }
0x51: {  	_ =	swait.ge [sflag:s17], $0x2000  }
0x52: {  	[sflag:s17] =	ssyncset.done $0x0  }
0x53: {  	[sflag:s17] =	ssyncadd.s32 $0xFFFFE000  }
0x54: {  	[spmem:s2] =	stream.indirect.scatter.add.bf16 [tilespmem:s15], [sflag:$0x3], $0x40, s20, s14, $0xb8;
	[tilespmem:$0x13000] =	vst v63  }
0x55: {  	_ =	swait.ge [sflag:s10], $0x2000  }
0x56: {  	[sflag:s10] =	ssyncset.done $0x0  }
0x57: {  	[sflag:s10] =	ssyncadd.s32 $0xFFFFE000  }
0x58: {  	_ =	swait.ge [sflag:s18], $0x2000  }
0x59: {  	[sflag:s18] =	ssyncset.done $0x0  }
0x5a: {  	[sflag:s18] =	ssyncadd.s32 $0xFFFFE000  }
0x5b: {  	[spmem:s2] =	stream.indirect.scatter.add.bf16 [tilespmem:s16], [sflag:$0x3], $0x40, s21, s14, $0xb8;
	[tilespmem:$0x13000] =	vst v63  }
0x5c: {  	_ =	swait.ge [sflag:s10], $0x2000  }
0x5d: {  	s22 =	sadd.s32 $0x1, s22;
	[sflag:s10] =	ssyncset.done $0x0  }
0x5e: {  	p0 =	sne.s32 s22, s9;
	[sflag:s10] =	ssyncadd.s32 $0xFFFFE000  }
.Ltmp1:
0x5f: {  	[bflag:$0x0] =	sbarrier.arrive $0xFFFF;
	(pc) =	sbr.rel @p0 .LBB2_1-.Ltmp1, $4  }
0x60: {  	[hbm:s8], [sflag:s12] =	dma.local [spmem:s13], $0x1400  }
0x61: {  	_ =	swait.ge [sflag:s10], $0x1400  }
0x62: {  	[sflag:s10] =	ssyncset.done $0x0  }
0x63: {  	[sflag:s10] =	ssyncadd.s32 $0xFFFFEC00  }
0x64: {  	_ =	sfence.sel $0x180000  }
0x65: {  	[bflag:$0x0] =	sbarrier.arrive $0xFFFF  }
0x66: {  	p0 =	sne.s32 s1, $0x0;
	_ =	strace $0x9000004A  }
0x67: {  	s0 =	sadd.s32 @!p0 $0x100000, s0;
	[bflag:$0x2] =	sbarrier.arrive $0xFFFF  }
0x68: {  	[sflag:s0] =	ssyncadd.tile.s32 @!p0 $0x1;
	_ =	shalt  }
.Lfunc_end2:
_tile_overlayer_lowered:
.L_overlay_start_2:
0x69: {  	(tag) =	ssettag $0x2  }
0x6a: {  	s0 =	rddreg [dreg:$0x0];
	s2 =	stileid.u32  }
0x6b: {  	s1 =	rddreg [dreg:$0x1];
	p0 =	sne.s32 s2, $0x0  }
0x6c: {  	s3 =	rddreg [dreg:$0x2];
	[bflag:$0x3] =	sbarrier.arrive $0xFFFF;
	s2 =	simm.s32 @!p0 $0x1C03  }
0x6d: {  	[timem:s3], [sflag:s2] =	dma.local @!p0 [hbm:s0], s1  }
0x6e: {  	s0 =	simm.s32 @!p0 $0x3  }
0x6f: {  	_ =	swait.ge @!p0 [sflag:s0], s1  }
0x70: {  	s1 =	ssub.s32 @!p0 $0x0, s1;
	[sflag:s0] =	ssyncset.done @!p0 $0x0  }
0x71: {  	[sflag:s0] =	ssyncadd.s32 @!p0 s1  }
0x72: {  	[bflag:$0x3] =	sbarrier.arrive $0xFFFF  }
0x73: {  	_ =	shalt  }

// kernel: kernel.15.cloned.1.call-start
scs
__scs_entry_jumppad:
0x0: {  	(pc) =	sbr.rel $0x88, $3  }
0x1: {  	(tag) =	ssettag $0x0;
	lr =	simm.s32 $0x1  }
0x2: {  	[smem:$0x3F8E] =	sst lr;
	_ =	strace $0xD0000000  }
0x3: {  	_ = 	snop  }
0x4: {  	_ = 	snop  }
0x5: {  	_ = 	snop  }
0x6: {  	_ = 	snop  }
0x7: {  	_ = 	snop  }
__scs_overlays_trampoline_lowered:
0x8: {  	[smem:$0x3F9D] =	sst s0  }
0x9: {  	[smem:$0x3F9E] =	sst s1  }
0xa: {  	[smem:$0x3F9F] =	sst s2  }
0xb: {  	[smem:$0x3FA0] =	sst s3  }
0xc: {  	[smem:$0x3FA1] =	sst s4  }
0xd: {  	[smem:$0x3FA2] =	sst s5  }
0xe: {  	[smem:$0x3FA3] =	sst s6  }
0xf: {  	[smem:$0x3FA4] =	sst s7  }
0x10: {  	[smem:$0x3FA5] =	sst s8  }
0x11: {  	[smem:$0x3FA6] =	sst s9;
	s0 =	simm.s32 @!p0 $0x0  }
0x12: {  	s1 =	sld [smem:$0x3F8C];
	s0 =	simm.s32 @p0 $0x1  }
0x13: {  	[smem:$0x3FA7] =	sst s0;
	s0 =	simm.s32 @!p1 $0x0  }
0x14: {  	s2 =	sld [smem:$0x3F8B];
	s0 =	simm.s32 @p1 $0x1  }
0x15: {  	[smem:$0x3FA8] =	sst s0;
	s0 =	simm.s32 @!p2 $0x0  }
0x16: {  	s3 =	sld [smem:$0x3FDB];
	s0 =	simm.s32 @p2 $0x1  }
0x17: {  	s4 =	simm.s32 $0x1BF5;
	[smem:$0x3FAA] =	sst s0  }
0x18: {  	s0 =	sld [smem:$0x3F8D];
	_ =	swait.ge [sflag:s4], $0x0  }
0x19: {  	s7 =	sld [smem:$0x3F8E]  }
0x1a: {  	s8 =	sadd.s32 $0xFFFFE003, lr  }
0x1b: {  	s9 =	sadd.s32 $0xFFFFFEF7, lr;
	s5 =	simm.s32 $0xFFFFFFFF;
	p2 =	slt.u32 s8, $0xFFFFF086  }
0x1c: {  	p1 =	slt.u32 s9, $0xF7A;
	s5 =	simm.s32 @!p2 $0x0  }
0x1d: {  	s5 =	simm.s32 @p1 $0x1;
	p0 =	seq.s32 s7, s2  }
0x1e: {  	s7 =	smul.u32 @!p0 $0xF7A, s2;
	p2 =	seq.s32 @!p0 s5, $0x0  }
0x1f: {  	s9 =	smul.u32 $0xF7A, s1;
	s8 =	simm.s32 @!p0 $0x1BF5;
	p2 =	por !p2, p0  }
0x20: {  	[sflag:s8] =	ssyncset.s32 @!p0 $0xFFFFF086;
	s6 =	sadd.s32 @!p0 s3, s7;
	s7 =	simm.s32 @!p0 $0x108  }
0x21: {  	s3 =	sadd.s32 s3, s9;
	s6 =	sadd.s32 @!p0 $0x88, s6;
	s7 =	simm.s32 @p2 $0x1082  }
0x22: {  	[simem:s7], [sflag:s8] =	dma.local @!p0 [hbm:s6], $0xF7A  }
0x23: {  	s9 =	sor.u32 $0xD0000000, s2;
	s6 =	simm.s32 $0x108;
	_ =	swait.ge @!p0 [sflag:s8], $0x0  }
0x24: {  	s3 =	sadd.s32 $0x88, s3;
	s6 =	simm.s32 @!p1 $0x1082;
	[sflag:s4] =	ssyncset.s32 $0xFFFFF086  }
0x25: {  	[simem:s6], [sflag:s4] =	dma.local [hbm:s3], $0xF7A  }
0x26: {  	[smem:$0x3F8E] =	sst s1;
	(tag) =	ssettag s2;
	_ =	strace s9  }
0x27: {  	s1 =	sld [smem:$0x3F9E]  }
0x28: {  	s2 =	sld [smem:$0x3F9F]  }
0x29: {  	s4 =	sld [smem:$0x3FA1]  }
0x2a: {  	p0 =	seq.s32 s5, $0x0;
	s5 =	sld [smem:$0x3FA2]  }
0x2b: {  	s6 =	sld [smem:$0x3FA3]  }
0x2c: {  	s7 =	sld [smem:$0x3FA4]  }
0x2d: {  	s3 =	simm.s32 $0x108;
	s8 =	sld [smem:$0x3FA5]  }
0x2e: {  	s3 =	simm.s32 @!p0 $0x1082;
	s9 =	sld [smem:$0x3FA6]  }
0x2f: {  	lr =	sadd.s32 s0, s3;
	s0 =	sld [smem:$0x3F9D]  }
0x30: {  	s3 =	sld [smem:$0x3FA0]  }
0x31: {  	[smem:$0x3FA9] =	sst s10  }
0x32: {  	s10 =	sld [smem:$0x3FA7];
	_ =	sdelay $0x3  }
0x33: {  	p0 =	seq.s32 s10, $0x1;
	s10 =	sld [smem:$0x3FA9];
	_ =	sdelay $0x3  }
0x34: {  	[smem:$0x3FA9] =	sst s10  }
0x35: {  	s10 =	sld [smem:$0x3FA8];
	_ =	sdelay $0x3  }
0x36: {  	p1 =	seq.s32 s10, $0x1;
	s10 =	sld [smem:$0x3FA9];
	_ =	sdelay $0x3  }
0x37: {  	[smem:$0x3FA9] =	sst s10  }
0x38: {  	s10 =	sld [smem:$0x3FAA]  }
0x39: {  	_ = 	snop;
	(pc) =	sbr.ind lr, $3  }
0x3a: {  	_ = 	snop  }
0x3b: {  	_ = 	snop  }
0x3c: {  	p2 =	seq.s32 s10, $0x1;
	s10 =	sld [smem:$0x3FA9]  }
0x3d: {  	_ =	shalt  }
0x3e: {  	_ =	shalt  }
0x3f: {  	_ =	shalt  }
0x40: {  	_ =	shalt  }
0x41: {  	_ =	shalt  }
0x42: {  	_ =	shalt  }
0x43: {  	_ =	shalt  }
0x44: {  	_ =	shalt  }
0x45: {  	_ =	shalt  }
0x46: {  	_ =	shalt  }
0x47: {  	_ =	shalt  }
0x48: {  	_ =	shalt  }
0x49: {  	_ =	shalt  }
0x4a: {  	_ =	shalt  }
0x4b: {  	_ =	shalt  }
0x4c: {  	_ =	shalt  }
0x4d: {  	_ =	shalt  }
0x4e: {  	_ =	shalt  }
0x4f: {  	_ =	shalt  }
0x50: {  	_ =	shalt  }
0x51: {  	_ =	shalt  }
0x52: {  	_ =	shalt  }
0x53: {  	_ =	shalt  }
0x54: {  	_ =	shalt  }
0x55: {  	_ =	shalt  }
0x56: {  	_ =	shalt  }
0x57: {  	_ =	shalt  }
0x58: {  	_ =	shalt  }
0x59: {  	_ =	shalt  }
0x5a: {  	_ =	shalt  }
0x5b: {  	_ =	shalt  }
0x5c: {  	_ =	shalt  }
0x5d: {  	_ =	shalt  }
0x5e: {  	_ =	shalt  }
0x5f: {  	_ =	shalt  }
0x60: {  	_ =	shalt  }
0x61: {  	_ =	shalt  }
0x62: {  	_ =	shalt  }
0x63: {  	_ =	shalt  }
0x64: {  	_ =	shalt  }
0x65: {  	_ =	shalt  }
0x66: {  	_ =	shalt  }
0x67: {  	_ =	shalt  }
0x68: {  	_ =	shalt  }
0x69: {  	_ =	shalt  }
0x6a: {  	_ =	shalt  }
0x6b: {  	_ =	shalt  }
0x6c: {  	_ =	shalt  }
0x6d: {  	_ =	shalt  }
0x6e: {  	_ =	shalt  }
0x6f: {  	_ =	shalt  }
0x70: {  	_ =	shalt  }
0x71: {  	_ =	shalt  }
0x72: {  	_ =	shalt  }
0x73: {  	_ =	shalt  }
0x74: {  	_ =	shalt  }
0x75: {  	_ =	shalt  }
0x76: {  	_ =	shalt  }
0x77: {  	_ =	shalt  }
0x78: {  	_ =	shalt  }
0x79: {  	_ =	shalt  }
0x7a: {  	_ =	shalt  }
0x7b: {  	_ =	shalt  }
0x7c: {  	_ =	shalt  }
0x7d: {  	_ =	shalt  }
0x7e: {  	_ =	shalt  }
0x7f: {  	_ =	shalt  }
0x80: {  	_ =	shalt  }
0x81: {  	_ =	shalt  }
0x82: {  	_ =	shalt  }
0x83: {  	_ =	shalt  }
0x84: {  	_ =	shalt  }
0x85: {  	_ =	shalt  }
0x86: {  	_ =	shalt  }
0x87: {  	_ =	shalt  }
.Lfunc_end0:
.L_simem_size_0:
called_computation.2_lowered:
.L_overlay_start_0:
0x88: {  	s2 =	sld [smem:$0x3FD9]  }
0x89: {  	s3 =	sld [smem:$0x3FFE];
	_ =	sdelay $0x1  }
0x8a: {  	s1 =	srdreg.scid  }
0x8b: {  	s0 =	sand.u32 $0x1, s1  }
0x8c: {  	s17 =	sshll.u32 s0, $0xA;
	s2 =	sadd.s32 s3, s2  }
0x8d: {  	s2 =	sadd.s32 s2, s17  }
0x8e: {  	[smem:$0x3FB5] =	sst s2  }
0x8f: {  	_ = 	snop  }
0x90: {  	s2 =	sld [smem:$0x3FD0];
	(tm) =	ssettm $0x1  }
0x91: {  	s18 =	sld [smem:$0x3FFB];
	_ =	sdelay $0x3  }
0x92: {  	_ =	strace s18  }
0x93: {  	s3 =	sld [smem:$0x3FFC];
	_ =	sdelay $0x3  }
0x94: {  	_ =	strace s3  }
0x95: {  	s3 =	sld [smem:$0x3FFD];
	_ =	sdelay $0x3  }
0x96: {  	_ =	strace s3  }
0x97: {  	_ =	strace $0x8FFFFFFF  }
0x98: {  	s19 =	sld [smem:$0x3FDB];
	_ =	sdelay $0x1  }
0x99: {  	s4 =	simm.s32 $_scs_section_size  }
0x9a: {  	s5 =	simm.s32 $_size__tile_overlayer_lowered;
	s6 =	simm.s32 $_tile_overlayer_lowered  }
0x9b: {  	s22 =	simm.s32 $0x1BFF;
	s21 =	sshll.u32 s6, $0x1;
	s3 =	sadd.s32 s4, s19  }
0x9c: {  	s7 =	simm.s32 $0x0;
	s20 =	sshll.u32 s5, $0x1;
	s5 =	sadd.s32 s21, s3  }
0x9d: {  	[timem:s7], [sflag:s22] =	dma.local [hbm:s5], s20  }
0x9e: {  	_ =	swait.ge [sflag:s22], s20  }
0x9f: {  	s4 =	ssub.s32 $0x0, s20;
	[sflag:s22] =	ssyncset.done $0x0  }
0xa0: {  	[sflag:s22] =	ssyncadd.s32 s4;
	_ =	sdelay $0x1  }
0xa1: {  	s23 =	simm.s32 $0x1B8B  }
0xa2: {  	_ =	swait.ge [sflag:s23], $0x1  }
0xa3: {  	[sflag:s23] =	ssyncset.done $0x0  }
0xa4: {  	s25 =	simm.s32 $0x1B8E;
	s24 =	sld [smem:$0x3FFE];
	[sflag:s23] =	ssyncadd.s32 $0xFFFFFFFF  }
0xa5: {  	s26 =	simm.s32 $execute0_lowered;
	[smem:$0x3FD2] =	sst s25  }
0xa6: {  	s5 =	sshll.u32 s26, $0x1;
	_ =	strace $0x8000004C;
	[dreg:$0x1] =	wrdreg $0xFFFFFFFF  }
0xa7: {  	s28 =	simm.s32 $_size_execute0_lowered;
	s3 =	sadd.s32 s3, s5;
	[dreg:$0x0] =	wrdreg $0x0  }
0xa8: {  	s5 =	sshll.u32 s28, $0x1;
	[dreg:$0x2] =	wrdreg s3  }
0xa9: {  	[dreg:$0x3] =	wrdreg s5  }
0xaa: {  	[dreg:$0x4] =	wrdreg $0xC0  }
0xab: {  	_ =	task [dreg:s7], $0x5FFFF  }
0xac: {  	[dreg:$0x1] =	wrdreg $0xFFFFFFFF  }
0xad: {  	[dreg:$0x0] =	wrdreg $0x60  }
0xae: {  	[dreg:$0x2] =	wrdreg s24  }
0xaf: {  	[dreg:$0x3] =	wrdreg s2  }
0xb0: {  	[dreg:$0x4] =	wrdreg $0x60000  }
0xb1: {  	[dreg:$0x5] =	wrdreg $0x9  }
0xb2: {  	_ =	task.clear_ibuf [dreg:s7], $0x6FFFF;
	_ =	strace $0x9000004C  }
0xb3: {  	s29 =	simm.s32 $0x9;
	_ =	strace $0x8000004E  }
0xb4: {  	_ =	swait.ge [sflag:s29], $0x1  }
0xb5: {  	[sflag:s29] =	ssyncadd.s32 $0xFFFFFFFF  }
0xb6: {  	_ =	strace $0x9000004E  }
0xb7: {  	_ =	sfence  }
0xb8: {  	s30 =	sld [smem:$0x0];
	_ =	sdelay $0x2  }
0xb9: {  	s31 =	sshll.u32 s1, $0xD;
	s1 =	sshrl.u32 s1, $0x2  }
0xba: {  	s3 =	sand.u32 $0x4000, s31;
	s1 =	sadd.s32 s1, s30  }
0xbb: {  	s0 =	sor.u32 s3, s0;
	s1 =	sshll.u32 s1, $0x11  }
0xbc: {  	s0 =	sor.u32 s1, s0  }
0xbd: {  	s0 =	sadd.s32 $0x8F2B, s0  }
0xbe: {  	[sflag:s0] =	ssyncadd.remote.s32 $0x1  }
0xbf: {  	_ =	sfence.sel $0xFFFF  }
0xc0: {  	[dreg:$0x0] =	wrdreg $0xFFFFFFFF;
	(pc) =	sbr.abs _section_cstart, $3  }
0xc1: {  	[dreg:$0x1] =	wrdreg $0xFFFFFFFF  }
0xc2: {  	_ =	task.clear_ibuf [dreg:s7], $0x2FFFF;
	_ =	strace $0x9FFFFFFF  }
0xc3: {  	(tm) =	ssettm $0x7FFFFFFF  }
tec
execute0_lowered:
.L_overlay_start_1:
0x0: {  	(tag) =	ssettag $0x1  }
0x1: {  	s6 =	rddreg [dreg:$0x0]  }
0x2: {  	s2 =	rddreg [dreg:$0x1]  }
0x3: {  	s3 =	rddreg [dreg:$0x2];
	s4 =	srdreg.scid  }
0x4: {  	s0 =	rddreg [dreg:$0x3];
	s1 =	stileid.u32  }
0x5: {  	s14 =	simm.s32 $0x80;
	s15 =	simm.s32 $0x5000;
	s16 =	simm.s32 $0x5800  }
0x6: {  	s17 =	simm.s32 $0x1;
	s18 =	simm.s32 $0x2;
	s19 =	simm.s32 $0x2780  }
0x7: {  	s20 =	simm.s32 $0x4F00;
	s21 =	simm.s32 $0x4F80;
	s22 =	simm.s32 $0x0  }
0x8: {  	s7 =	sand.u32 $0x1, s4;
	s4 =	simm.s32 $0x0;
	s8 =	smul.u32 $0x2800, s1  }
0x9: {  	s12 =	sshll.u32 s1, $0x6;
	s5 =	sshll.u32 s7, $0x4;
	[smem:$0x7FF] =	sst s4  }
0xa: {  	s9 =	smul.u32 $0x28000, s7;
	s7 =	ssub.s32 $0x2, s7;
	s12 =	sor.u32 $0x1C03, s12  }
0xb: {  	s5 =	sor.u32 s1, s5;
	_ =	strace $0x8000004D;
	s11 =	sshrl.u32 s7, $0x1  }
0xc: {  	s13 =	sadd.s32 s8, s3;
	s10 =	smul.u32 $0x500, s5;
	s9 =	sadd.s32 s8, s9  }
0xd: {  	s5 =	sadd.s32 $0x3600, s6;
	s11 =	ssub.s32 s7, s11;
	s9 =	sshrl.u32 s9, $0x3  }
0xe: {  	s13 =	sshrl.u32 s13, $0x3;
	s10 =	sadd.s32 s10, s6;
	s9 =	sadd.s32 s9, s6  }
0xf: {  	s6 =	sadd.s32 $0x18400, s10;
	s7 =	sadd.s32 $0x22400, s10;
	s8 =	sadd.s32 $0x8600, s9  }
0x10: {  	s9 =	smax.u32 s11, $0x1;
	s10 =	simm.s32 $0x3;
	s11 =	simm.s32 $0x2800  }
.LBB2_1:
0x11: {  	[tilespmem:s4], [sflag:$0x3] =	stream.linear.gather [hbm4b:s6+s4], $0x2800, $0x38;
	[tilespmem:$0x8800] =	vst v63  }
0x12: {  	_ =	swait.ge [sflag:s10], $0x2800  }
0x13: {  	[sflag:s10] =	ssyncset.done $0x0  }
0x14: {  	[sflag:s10] =	ssyncadd.s32 $0xFFFFD800  }
0x15: {  	[tilespmem:s11], [sflag:$0x3] =	stream.linear.gather [hbm4b:s7+s4], $0x2800, $0x38;
	[tilespmem:$0x8800] =	vst v63  }
0x16: {  	_ =	swait.ge [sflag:s10], $0x2800  }
0x17: {  	[sflag:s10] =	ssyncset.done $0x0  }
0x18: {  	[sflag:s10] =	ssyncadd.s32 $0xFFFFD800  }
0x19: {  	[spmem:s13], [sflag:s12] =	dma.local [hbm:s2], $0x500  }
0x1a: {  	_ =	swait.ge [sflag:s10], $0x500  }
0x1b: {  	[sflag:s10] =	ssyncset.done $0x0  }
0x1c: {  	[sflag:s10] =	ssyncadd.s32 $0xFFFFFB00  }
0x1d: {  	[bflag:$0x0] =	sbarrier.arrive $0xFFFF  }
0x1e: {  	[tilespmem:s15], [sflag:$0x1] =	stream.indirect.gather [hbm4b:s5+s14], $0x10, s4, s14, $0xb8;
	[tilespmem:$0x8800] =	vst v63  }
0x1f: {  	s23 =	simm.s32 $0x80  }
0x20: {  	[tilespmem:s16], [sflag:$0x2] =	stream.indirect.gather [hbm4b:s5+s14], $0x10, s23, s14, $0xb8;
	[tilespmem:$0x8800] =	vst v63  }
0x21: {  	_ =	swait.ge [sflag:s17], $0x800  }
0x22: {  	[sflag:s17] =	ssyncset.done $0x0  }
0x23: {  	s29 =	simm.s32 $0x2800;
	[sflag:s17] =	ssyncadd.s32 $0xFFFFF800  }
0x24: {  	[spmem:s3] =	stream.indirect.scatter.add.f32 [tilespmem:s15], [sflag:$0x3], $0x10, s29, s14, $0xb8;
	[tilespmem:$0x8800] =	vst v63  }
0x25: {  	_ =	swait.ge [sflag:s10], $0x800  }
0x26: {  	[sflag:s10] =	ssyncset.done $0x0  }
0x27: {  	s30 =	simm.s32 $0x100;
	[sflag:s10] =	ssyncadd.s32 $0xFFFFF800  }
0x28: {  	[tilespmem:s15], [sflag:$0x1] =	stream.indirect.gather [hbm4b:s5+s14], $0x10, s30, s14, $0xb8;
	[tilespmem:$0x8800] =	vst v63  }
0x29: {  	_ =	swait.ge [sflag:s18], $0x800  }
0x2a: {  	[sflag:s18] =	ssyncset.done $0x0  }
0x2b: {  	s31 =	simm.s32 $0x2880;
	[sflag:s18] =	ssyncadd.s32 $0xFFFFF800  }
0x2c: {  	[spmem:s3] =	stream.indirect.scatter.add.f32 [tilespmem:s16], [sflag:$0x3], $0x10, s31, s14, $0xb8;
	[tilespmem:$0x8800] =	vst v63  }
0x2d: {  	_ =	swait.ge [sflag:s10], $0x800  }
0x2e: {  	s24 =	simm.s32 $0x800;
	s23 =	simm.s32 $0x100;
	[sflag:s10] =	ssyncset.done $0x0  }
.LBB2_2:
0x2f: {  	s25 =	sadd.s32 $0x80, s23  }
0x30: {  	[sflag:s10] =	ssyncadd.s32 $0xFFFFF800;
	s26 =	smov.u32 s24;
	s28 =	sadd.s32 $0x400, s24  }
0x31: {  	[tilespmem:s16], [sflag:$0x2] =	stream.indirect.gather [hbm4b:s5+s14], $0x10, s25, s14, $0xb8;
	[tilespmem:$0x8800] =	vst v63  }
0x32: {  	p0 =	sne.s32 s24, $0x9800;
	_ =	swait.ge [sflag:s17], $0x800  }
0x33: {  	[sflag:s17] =	ssyncset.done $0x0  }
0x34: {  	s24 =	sadd.s32 $0x2800, s23;
	[sflag:s17] =	ssyncadd.s32 $0xFFFFF800  }
0x35: {  	[spmem:s3] =	stream.indirect.scatter.add.f32 [tilespmem:s15], [sflag:$0x3], $0x10, s24, s14, $0xb8;
	[tilespmem:$0x8800] =	vst v63  }
0x36: {  	_ =	swait.ge [sflag:s10], $0x800  }
0x37: {  	[sflag:s10] =	ssyncset.done $0x0  }
0x38: {  	s24 =	sadd.s32 $0x100, s23;
	[sflag:s10] =	ssyncadd.s32 $0xFFFFF800  }
0x39: {  	[tilespmem:s15], [sflag:$0x1] =	stream.indirect.gather [hbm4b:s5+s14], $0x10, s24, s14, $0xb8;
	[tilespmem:$0x8800] =	vst v63  }
0x3a: {  	_ =	swait.ge [sflag:s18], $0x800  }
.Ltmp0:
0x3b: {  	[sflag:s18] =	ssyncset.done $0x0;
	(pc) =	sbr.rel @p0 .LBB2_2-.Ltmp0, $4  }
0x3c: {  	s23 =	sadd.s32 $0x2880, s23;
	[sflag:s18] =	ssyncadd.s32 $0xFFFFF800  }
0x3d: {  	[spmem:s3] =	stream.indirect.scatter.add.f32 [tilespmem:s16], [sflag:$0x3], $0x10, s23, s14, $0xb8;
	[tilespmem:$0x8800] =	vst v63  }
0x3e: {  	_ =	swait.ge [sflag:s10], $0x800  }
0x3f: {  	s24 =	smov.u32 s28;
	s23 =	sshra.s32 s26, $0x2;
	[sflag:s10] =	ssyncset.done $0x0  }
0x40: {  	s24 =	sadd.s32 $0x80, s23;
	[sflag:s10] =	ssyncadd.s32 $0xFFFFF800  }
0x41: {  	[tilespmem:s16], [sflag:$0x2] =	stream.indirect.gather [hbm4b:s5+s14], $0x10, s24, s14, $0xb8;
	[tilespmem:$0x8800] =	vst v63  }
0x42: {  	_ =	swait.ge [sflag:s17], $0x800  }
0x43: {  	[sflag:s17] =	ssyncset.done $0x0  }
0x44: {  	s29 =	sadd.s32 $0x2800, s23;
	[sflag:s17] =	ssyncadd.s32 $0xFFFFF800  }
0x45: {  	[spmem:s3] =	stream.indirect.scatter.add.f32 [tilespmem:s15], [sflag:$0x3], $0x10, s29, s14, $0xb8;
	[tilespmem:$0x8800] =	vst v63  }
0x46: {  	_ =	swait.ge [sflag:s10], $0x800  }
0x47: {  	[sflag:s10] =	ssyncset.done $0x0  }
0x48: {  	s30 =	sadd.s32 $0x100, s23;
	[sflag:s10] =	ssyncadd.s32 $0xFFFFF800  }
0x49: {  	[tilespmem:s15], [sflag:$0x1] =	stream.indirect.gather [hbm4b:s5+s14], $0x10, s30, s14, $0xb8;
	[tilespmem:$0x8800] =	vst v63  }
0x4a: {  	_ =	swait.ge [sflag:s18], $0x800  }
0x4b: {  	[sflag:s18] =	ssyncset.done $0x0  }
0x4c: {  	s31 =	sadd.s32 $0x2880, s23;
	[sflag:s18] =	ssyncadd.s32 $0xFFFFF800  }
0x4d: {  	[spmem:s3] =	stream.indirect.scatter.add.f32 [tilespmem:s16], [sflag:$0x3], $0x10, s31, s14, $0xb8;
	[tilespmem:$0x8800] =	vst v63  }
0x4e: {  	_ =	swait.ge [sflag:s10], $0x800  }
0x4f: {  	[sflag:s10] =	ssyncset.done $0x0  }
0x50: {  	[sflag:s10] =	ssyncadd.s32 $0xFFFFF800  }
0x51: {  	[tilespmem:s16], [sflag:$0x2] =	stream.indirect.gather [hbm4b:s5+s14], $0x10, s19, s14, $0xb8;
	[tilespmem:$0x8800] =	vst v63  }
0x52: {  	_ =	swait.ge [sflag:s17], $0x800  }
0x53: {  	[sflag:s17] =	ssyncset.done $0x0  }
0x54: {  	[sflag:s17] =	ssyncadd.s32 $0xFFFFF800  }
0x55: {  	[spmem:s3] =	stream.indirect.scatter.add.f32 [tilespmem:s15], [sflag:$0x3], $0x10, s20, s14, $0xb8;
	[tilespmem:$0x8800] =	vst v63  }
0x56: {  	_ =	swait.ge [sflag:s10], $0x800  }
0x57: {  	[sflag:s10] =	ssyncset.done $0x0  }
0x58: {  	[sflag:s10] =	ssyncadd.s32 $0xFFFFF800  }
0x59: {  	_ =	swait.ge [sflag:s18], $0x800  }
0x5a: {  	[sflag:s18] =	ssyncset.done $0x0  }
0x5b: {  	[sflag:s18] =	ssyncadd.s32 $0xFFFFF800  }
0x5c: {  	[spmem:s3] =	stream.indirect.scatter.add.f32 [tilespmem:s16], [sflag:$0x3], $0x10, s21, s14, $0xb8;
	[tilespmem:$0x8800] =	vst v63  }
0x5d: {  	_ =	swait.ge [sflag:s10], $0x800  }
0x5e: {  	s22 =	sadd.s32 $0x1, s22;
	[sflag:s10] =	ssyncset.done $0x0  }
0x5f: {  	p0 =	sne.s32 s22, s9;
	[sflag:s10] =	ssyncadd.s32 $0xFFFFF800  }
.Ltmp1:
0x60: {  	[bflag:$0x0] =	sbarrier.arrive $0xFFFF;
	(pc) =	sbr.rel @p0 .LBB2_1-.Ltmp1, $4  }
0x61: {  	[hbm:s8], [sflag:s12] =	dma.local [spmem:s13], $0x500  }
0x62: {  	_ =	swait.ge [sflag:s10], $0x500  }
0x63: {  	[sflag:s10] =	ssyncset.done $0x0  }
0x64: {  	[sflag:s10] =	ssyncadd.s32 $0xFFFFFB00  }
0x65: {  	_ =	sfence.sel $0x180000  }
0x66: {  	[bflag:$0x0] =	sbarrier.arrive $0xFFFF  }
0x67: {  	p0 =	sne.s32 s1, $0x0;
	_ =	strace $0x9000004D  }
0x68: {  	s0 =	sadd.s32 @!p0 $0x100000, s0;
	[bflag:$0x2] =	sbarrier.arrive $0xFFFF  }
0x69: {  	[sflag:s0] =	ssyncadd.tile.s32 @!p0 $0x1;
	_ =	shalt  }
.Lfunc_end2:
_tile_overlayer_lowered:
.L_overlay_start_2:
0x6a: {  	(tag) =	ssettag $0x2  }
0x6b: {  	s0 =	rddreg [dreg:$0x0];
	s2 =	stileid.u32  }
0x6c: {  	s1 =	rddreg [dreg:$0x1];
	p0 =	sne.s32 s2, $0x0  }
0x6d: {  	s3 =	rddreg [dreg:$0x2];
	[bflag:$0x3] =	sbarrier.arrive $0xFFFF;
	s2 =	simm.s32 @!p0 $0x1C03  }
0x6e: {  	[timem:s3], [sflag:s2] =	dma.local @!p0 [hbm:s0], s1  }
0x6f: {  	s0 =	simm.s32 @!p0 $0x3  }
0x70: {  	_ =	swait.ge @!p0 [sflag:s0], s1  }
0x71: {  	s1 =	ssub.s32 @!p0 $0x0, s1;
	[sflag:s0] =	ssyncset.done @!p0 $0x0  }
0x72: {  	[sflag:s0] =	ssyncadd.s32 @!p0 s1  }
0x73: {  	[bflag:$0x3] =	sbarrier.arrive $0xFFFF  }
0x74: {  	_ =	shalt  }

// kernel: kernel.9.cloned.1.call-start
scs
__scs_entry_jumppad:
0x0: {  	(pc) =	sbr.rel $0x88, $3  }
0x1: {  	(tag) =	ssettag $0x0;
	lr =	simm.s32 $0x1  }
0x2: {  	[smem:$0x3F8E] =	sst lr;
	_ =	strace $0xD0000000  }
0x3: {  	_ = 	snop  }
0x4: {  	_ = 	snop  }
0x5: {  	_ = 	snop  }
0x6: {  	_ = 	snop  }
0x7: {  	_ = 	snop  }
__scs_overlays_trampoline_lowered:
0x8: {  	[smem:$0x3F9D] =	sst s0  }
0x9: {  	[smem:$0x3F9E] =	sst s1  }
0xa: {  	[smem:$0x3F9F] =	sst s2  }
0xb: {  	[smem:$0x3FA0] =	sst s3  }
0xc: {  	[smem:$0x3FA1] =	sst s4  }
0xd: {  	[smem:$0x3FA2] =	sst s5  }
0xe: {  	[smem:$0x3FA3] =	sst s6  }
0xf: {  	[smem:$0x3FA4] =	sst s7  }
0x10: {  	[smem:$0x3FA5] =	sst s8  }
0x11: {  	[smem:$0x3FA6] =	sst s9;
	s0 =	simm.s32 @!p0 $0x0  }
0x12: {  	s1 =	sld [smem:$0x3F8C];
	s0 =	simm.s32 @p0 $0x1  }
0x13: {  	[smem:$0x3FA7] =	sst s0;
	s0 =	simm.s32 @!p1 $0x0  }
0x14: {  	s2 =	sld [smem:$0x3F8B];
	s0 =	simm.s32 @p1 $0x1  }
0x15: {  	[smem:$0x3FA8] =	sst s0;
	s0 =	simm.s32 @!p2 $0x0  }
0x16: {  	s3 =	sld [smem:$0x3FDB];
	s0 =	simm.s32 @p2 $0x1  }
0x17: {  	s4 =	simm.s32 $0x1BF5;
	[smem:$0x3FAA] =	sst s0  }
0x18: {  	s0 =	sld [smem:$0x3F8D];
	_ =	swait.ge [sflag:s4], $0x0  }
0x19: {  	s7 =	sld [smem:$0x3F8E]  }
0x1a: {  	s8 =	sadd.s32 $0xFFFFE003, lr  }
0x1b: {  	s9 =	sadd.s32 $0xFFFFFEF7, lr;
	s5 =	simm.s32 $0xFFFFFFFF;
	p2 =	slt.u32 s8, $0xFFFFF086  }
0x1c: {  	p1 =	slt.u32 s9, $0xF7A;
	s5 =	simm.s32 @!p2 $0x0  }
0x1d: {  	s5 =	simm.s32 @p1 $0x1;
	p0 =	seq.s32 s7, s2  }
0x1e: {  	s7 =	smul.u32 @!p0 $0xF7A, s2;
	p2 =	seq.s32 @!p0 s5, $0x0  }
0x1f: {  	s9 =	smul.u32 $0xF7A, s1;
	s8 =	simm.s32 @!p0 $0x1BF5;
	p2 =	por !p2, p0  }
0x20: {  	[sflag:s8] =	ssyncset.s32 @!p0 $0xFFFFF086;
	s6 =	sadd.s32 @!p0 s3, s7;
	s7 =	simm.s32 @!p0 $0x108  }
0x21: {  	s3 =	sadd.s32 s3, s9;
	s6 =	sadd.s32 @!p0 $0x88, s6;
	s7 =	simm.s32 @p2 $0x1082  }
0x22: {  	[simem:s7], [sflag:s8] =	dma.local @!p0 [hbm:s6], $0xF7A  }
0x23: {  	s9 =	sor.u32 $0xD0000000, s2;
	s6 =	simm.s32 $0x108;
	_ =	swait.ge @!p0 [sflag:s8], $0x0  }
0x24: {  	s3 =	sadd.s32 $0x88, s3;
	s6 =	simm.s32 @!p1 $0x1082;
	[sflag:s4] =	ssyncset.s32 $0xFFFFF086  }
0x25: {  	[simem:s6], [sflag:s4] =	dma.local [hbm:s3], $0xF7A  }
0x26: {  	[smem:$0x3F8E] =	sst s1;
	(tag) =	ssettag s2;
	_ =	strace s9  }
0x27: {  	s1 =	sld [smem:$0x3F9E]  }
0x28: {  	s2 =	sld [smem:$0x3F9F]  }
0x29: {  	s4 =	sld [smem:$0x3FA1]  }
0x2a: {  	p0 =	seq.s32 s5, $0x0;
	s5 =	sld [smem:$0x3FA2]  }
0x2b: {  	s6 =	sld [smem:$0x3FA3]  }
0x2c: {  	s7 =	sld [smem:$0x3FA4]  }
0x2d: {  	s3 =	simm.s32 $0x108;
	s8 =	sld [smem:$0x3FA5]  }
0x2e: {  	s3 =	simm.s32 @!p0 $0x1082;
	s9 =	sld [smem:$0x3FA6]  }
0x2f: {  	lr =	sadd.s32 s0, s3;
	s0 =	sld [smem:$0x3F9D]  }
0x30: {  	s3 =	sld [smem:$0x3FA0]  }
0x31: {  	[smem:$0x3FA9] =	sst s10  }
0x32: {  	s10 =	sld [smem:$0x3FA7];
	_ =	sdelay $0x3  }
0x33: {  	p0 =	seq.s32 s10, $0x1;
	s10 =	sld [smem:$0x3FA9];
	_ =	sdelay $0x3  }
0x34: {  	[smem:$0x3FA9] =	sst s10  }
0x35: {  	s10 =	sld [smem:$0x3FA8];
	_ =	sdelay $0x3  }
0x36: {  	p1 =	seq.s32 s10, $0x1;
	s10 =	sld [smem:$0x3FA9];
	_ =	sdelay $0x3  }
0x37: {  	[smem:$0x3FA9] =	sst s10  }
0x38: {  	s10 =	sld [smem:$0x3FAA]  }
0x39: {  	_ = 	snop;
	(pc) =	sbr.ind lr, $3  }
0x3a: {  	_ = 	snop  }
0x3b: {  	_ = 	snop  }
0x3c: {  	p2 =	seq.s32 s10, $0x1;
	s10 =	sld [smem:$0x3FA9]  }
0x3d: {  	_ =	shalt  }
0x3e: {  	_ =	shalt  }
0x3f: {  	_ =	shalt  }
0x40: {  	_ =	shalt  }
0x41: {  	_ =	shalt  }
0x42: {  	_ =	shalt  }
0x43: {  	_ =	shalt  }
0x44: {  	_ =	shalt  }
0x45: {  	_ =	shalt  }
0x46: {  	_ =	shalt  }
0x47: {  	_ =	shalt  }
0x48: {  	_ =	shalt  }
0x49: {  	_ =	shalt  }
0x4a: {  	_ =	shalt  }
0x4b: {  	_ =	shalt  }
0x4c: {  	_ =	shalt  }
0x4d: {  	_ =	shalt  }
0x4e: {  	_ =	shalt  }
0x4f: {  	_ =	shalt  }
0x50: {  	_ =	shalt  }
0x51: {  	_ =	shalt  }
0x52: {  	_ =	shalt  }
0x53: {  	_ =	shalt  }
0x54: {  	_ =	shalt  }
0x55: {  	_ =	shalt  }
0x56: {  	_ =	shalt  }
0x57: {  	_ =	shalt  }
0x58: {  	_ =	shalt  }
0x59: {  	_ =	shalt  }
0x5a: {  	_ =	shalt  }
0x5b: {  	_ =	shalt  }
0x5c: {  	_ =	shalt  }
0x5d: {  	_ =	shalt  }
0x5e: {  	_ =	shalt  }
0x5f: {  	_ =	shalt  }
0x60: {  	_ =	shalt  }
0x61: {  	_ =	shalt  }
0x62: {  	_ =	shalt  }
0x63: {  	_ =	shalt  }
0x64: {  	_ =	shalt  }
0x65: {  	_ =	shalt  }
0x66: {  	_ =	shalt  }
0x67: {  	_ =	shalt  }
0x68: {  	_ =	shalt  }
0x69: {  	_ =	shalt  }
0x6a: {  	_ =	shalt  }
0x6b: {  	_ =	shalt  }
0x6c: {  	_ =	shalt  }
0x6d: {  	_ =	shalt  }
0x6e: {  	_ =	shalt  }
0x6f: {  	_ =	shalt  }
0x70: {  	_ =	shalt  }
0x71: {  	_ =	shalt  }
0x72: {  	_ =	shalt  }
0x73: {  	_ =	shalt  }
0x74: {  	_ =	shalt  }
0x75: {  	_ =	shalt  }
0x76: {  	_ =	shalt  }
0x77: {  	_ =	shalt  }
0x78: {  	_ =	shalt  }
0x79: {  	_ =	shalt  }
0x7a: {  	_ =	shalt  }
0x7b: {  	_ =	shalt  }
0x7c: {  	_ =	shalt  }
0x7d: {  	_ =	shalt  }
0x7e: {  	_ =	shalt  }
0x7f: {  	_ =	shalt  }
0x80: {  	_ =	shalt  }
0x81: {  	_ =	shalt  }
0x82: {  	_ =	shalt  }
0x83: {  	_ =	shalt  }
0x84: {  	_ =	shalt  }
0x85: {  	_ =	shalt  }
0x86: {  	_ =	shalt  }
0x87: {  	_ =	shalt  }
.Lfunc_end0:
.L_simem_size_0:
called_computation_lowered:
.L_overlay_start_0:
0x88: {  	s2 =	sld [smem:$0x3FD9]  }
0x89: {  	s3 =	sld [smem:$0x3FFE];
	_ =	sdelay $0x1  }
0x8a: {  	s1 =	srdreg.scid  }
0x8b: {  	s0 =	sand.u32 $0x1, s1  }
0x8c: {  	s17 =	sshll.u32 s0, $0xA;
	s2 =	sadd.s32 s3, s2  }
0x8d: {  	s2 =	sadd.s32 s2, s17  }
0x8e: {  	[smem:$0x3FB5] =	sst s2  }
0x8f: {  	_ = 	snop  }
0x90: {  	s2 =	sld [smem:$0x3FD0];
	(tm) =	ssettm $0x1  }
0x91: {  	s18 =	sld [smem:$0x3FFB];
	_ =	sdelay $0x3  }
0x92: {  	_ =	strace s18  }
0x93: {  	s3 =	sld [smem:$0x3FFC];
	_ =	sdelay $0x3  }
0x94: {  	_ =	strace s3  }
0x95: {  	s3 =	sld [smem:$0x3FFD];
	_ =	sdelay $0x3  }
0x96: {  	_ =	strace s3  }
0x97: {  	_ =	strace $0x8FFFFFFF  }
0x98: {  	s19 =	sld [smem:$0x3FDB];
	_ =	sdelay $0x1  }
0x99: {  	s4 =	simm.s32 $_scs_section_size  }
0x9a: {  	s5 =	simm.s32 $_size__tile_overlayer_lowered;
	s6 =	simm.s32 $_tile_overlayer_lowered  }
0x9b: {  	s22 =	simm.s32 $0x1BFF;
	s21 =	sshll.u32 s6, $0x1;
	s3 =	sadd.s32 s4, s19  }
0x9c: {  	s7 =	simm.s32 $0x0;
	s20 =	sshll.u32 s5, $0x1;
	s5 =	sadd.s32 s21, s3  }
0x9d: {  	[timem:s7], [sflag:s22] =	dma.local [hbm:s5], s20  }
0x9e: {  	_ =	swait.ge [sflag:s22], s20  }
0x9f: {  	s4 =	ssub.s32 $0x0, s20;
	[sflag:s22] =	ssyncset.done $0x0  }
0xa0: {  	[sflag:s22] =	ssyncadd.s32 s4;
	_ =	sdelay $0x1  }
0xa1: {  	s23 =	simm.s32 $0x1B8B  }
0xa2: {  	_ =	swait.ge [sflag:s23], $0x1  }
0xa3: {  	[sflag:s23] =	ssyncset.done $0x0  }
0xa4: {  	s25 =	simm.s32 $0x1B8E;
	s24 =	sld [smem:$0x3FFE];
	[sflag:s23] =	ssyncadd.s32 $0xFFFFFFFF  }
0xa5: {  	s26 =	simm.s32 $execute0_lowered;
	[smem:$0x3FD2] =	sst s25  }
0xa6: {  	s5 =	sshll.u32 s26, $0x1;
	_ =	strace $0x80000046;
	[dreg:$0x1] =	wrdreg $0xFFFFFFFF  }
0xa7: {  	s28 =	simm.s32 $_size_execute0_lowered;
	s3 =	sadd.s32 s3, s5;
	[dreg:$0x0] =	wrdreg $0x0  }
0xa8: {  	s5 =	sshll.u32 s28, $0x1;
	[dreg:$0x2] =	wrdreg s3  }
0xa9: {  	[dreg:$0x3] =	wrdreg s5  }
0xaa: {  	[dreg:$0x4] =	wrdreg $0xC0  }
0xab: {  	_ =	task [dreg:s7], $0x5FFFF  }
0xac: {  	[dreg:$0x1] =	wrdreg $0xFFFFFFFF  }
0xad: {  	[dreg:$0x0] =	wrdreg $0x60  }
0xae: {  	[dreg:$0x2] =	wrdreg s24  }
0xaf: {  	[dreg:$0x3] =	wrdreg s2  }
0xb0: {  	[dreg:$0x4] =	wrdreg $0x98000  }
0xb1: {  	[dreg:$0x5] =	wrdreg $0x138000  }
0xb2: {  	[dreg:$0x6] =	wrdreg $0x9  }
0xb3: {  	_ =	task.clear_ibuf [dreg:s7], $0x7FFFF;
	_ =	strace $0x90000046  }
0xb4: {  	s29 =	simm.s32 $0x9;
	_ =	strace $0x80000048  }
0xb5: {  	_ =	swait.ge [sflag:s29], $0x1  }
0xb6: {  	[sflag:s29] =	ssyncadd.s32 $0xFFFFFFFF  }
0xb7: {  	_ =	strace $0x90000048  }
0xb8: {  	_ =	sfence  }
0xb9: {  	s30 =	sld [smem:$0x0];
	_ =	sdelay $0x2  }
0xba: {  	s31 =	sshll.u32 s1, $0xD;
	s1 =	sshrl.u32 s1, $0x2  }
0xbb: {  	s3 =	sand.u32 $0x4000, s31;
	s1 =	sadd.s32 s1, s30  }
0xbc: {  	s0 =	sor.u32 s3, s0;
	s1 =	sshll.u32 s1, $0x11  }
0xbd: {  	s0 =	sor.u32 s1, s0  }
0xbe: {  	s0 =	sadd.s32 $0x8F2B, s0  }
0xbf: {  	[sflag:s0] =	ssyncadd.remote.s32 $0x1  }
0xc0: {  	_ =	sfence.sel $0xFFFF  }
0xc1: {  	[dreg:$0x0] =	wrdreg $0xFFFFFFFF;
	(pc) =	sbr.abs _section_cstart, $3  }
0xc2: {  	[dreg:$0x1] =	wrdreg $0xFFFFFFFF  }
0xc3: {  	_ =	task.clear_ibuf [dreg:s7], $0x2FFFF;
	_ =	strace $0x9FFFFFFF  }
0xc4: {  	(tm) =	ssettm $0x7FFFFFFF  }
0xc5: {  	_ =	shalt  }
tec
execute0_lowered:
.L_overlay_start_1:
0x0: {  	(tag) =	ssettag $0x1  }
0x1: {  	s10 =	rddreg [dreg:$0x0]  }
0x2: {  	s0 =	srdreg.scid;
	s3 =	rddreg [dreg:$0x2]  }
0x3: {  	s31 =	stileid.u32;
	s4 =	rddreg [dreg:$0x3]  }
0x4: {  	s5 =	simm.s32 $0x0;
	s20 =	simm.s32 $0x80;
	s21 =	simm.s32 $0x5000  }
0x5: {  	s22 =	simm.s32 $0x7000;
	s23 =	simm.s32 $0x1;
	s24 =	simm.s32 $0x2  }
0x6: {  	s25 =	simm.s32 $0x2780;
	s26 =	simm.s32 $0x4F00;
	s28 =	simm.s32 $0x4F80  }
0x7: {  	s29 =	simm.s32 $0x0;
	s9 =	sand.u32 $0x1, s0;
	s11 =	smul.u32 $0x14000, s31  }
0x8: {  	[smem:$0x7FF] =	sst s5;
	s13 =	smul.u32 $0x2800, s31;
	s6 =	sadd.s32 $0x3600, s10  }
0x9: {  	s8 =	sadd.s32 $0x17000, s10;
	s17 =	sshll.u32 s31, $0x6;
	s12 =	smul.u32 $0x140000, s9  }
0xa: {  	s1 =	sshll.u32 s9, $0x4;
	_ =	strace $0x80000047;
	s14 =	smul.u32 $0x28000, s9  }
0xb: {  	s9 =	ssub.s32 $0x2, s9;
	s17 =	sor.u32 $0x1C03, s17;
	s1 =	sor.u32 s31, s1  }
0xc: {  	s16 =	sshrl.u32 s9, $0x1;
	s19 =	sadd.s32 s13, s4;
	s7 =	smul.u32 $0x500, s1  }
0xd: {  	s12 =	sadd.s32 s11, s12;
	s14 =	sadd.s32 s13, s14;
	s16 =	ssub.s32 s9, s16  }
0xe: {  	s11 =	sshrl.u32 s11, $0x1;
	s19 =	sshrl.u32 s19, $0x3;
	s12 =	sshrl.u32 s12, $0x4  }
0xf: {  	s14 =	sshrl.u32 s14, $0x3;
	s18 =	sadd.s32 s11, s3;
	s13 =	smax.u32 s16, $0x1  }
0x10: {  	s16 =	simm.s32 $0x9000;
	s15 =	sadd.s32 s7, s10;
	s7 =	sadd.s32 $0x2C400, s10  }
0x11: {  	s12 =	sadd.s32 s12, s10;
	s14 =	sadd.s32 s14, s10;
	s18 =	sshrl.u32 s18, $0x3  }
0x12: {  	s9 =	sadd.s32 $0x18400, s15;
	s10 =	sadd.s32 $0x22400, s15;
	s11 =	sadd.s32 $0x36600, s12  }
0x13: {  	s12 =	sadd.s32 $0x2C600, s14;
	s14 =	simm.s32 $0x3;
	s15 =	simm.s32 $0x2800  }
.LBB2_1:
0x14: {  	[tilespmem:s5], [sflag:$0x3] =	stream.linear.gather [hbm4b:s9+s5], $0x2800, $0x38;
	[tilespmem:$0x16000] =	vst v63  }
0x15: {  	_ =	swait.ge [sflag:s14], $0x2800  }
0x16: {  	[sflag:s14] =	ssyncset.done $0x0  }
0x17: {  	[sflag:s14] =	ssyncadd.s32 $0xFFFFD800  }
0x18: {  	[tilespmem:s15], [sflag:$0x3] =	stream.linear.gather [hbm4b:s10+s5], $0x2800, $0x38;
	[tilespmem:$0x16000] =	vst v63  }
0x19: {  	_ =	swait.ge [sflag:s14], $0x2800  }
0x1a: {  	[sflag:s14] =	ssyncset.done $0x0  }
0x1b: {  	[sflag:s14] =	ssyncadd.s32 $0xFFFFD800  }
0x1c: {  	[tilespmem:s16], [sflag:$0x3] =	stream.linear.gather [hbm4b:s7+s5], $0x800, $0x38;
	[tilespmem:$0x16000] =	vst v63  }
0x1d: {  	_ =	swait.ge [sflag:s14], $0x800  }
0x1e: {  	[sflag:s14] =	ssyncset.done $0x0  }
0x1f: {  	[sflag:s14] =	ssyncadd.s32 $0xFFFFF800  }
0x20: {  	[spmem:s18], [sflag:s17] =	dma.local [hbm:s8], $0x1400  }
0x21: {  	_ =	swait.ge [sflag:s14], $0x1400  }
0x22: {  	[sflag:s14] =	ssyncset.done $0x0  }
0x23: {  	[sflag:s14] =	ssyncadd.s32 $0xFFFFEC00  }
0x24: {  	s0 =	rddreg [dreg:$0x1]  }
0x25: {  	[spmem:s19], [sflag:s17] =	dma.local [hbm:s0], $0x500  }
0x26: {  	_ =	swait.ge [sflag:s14], $0x500  }
0x27: {  	[sflag:s14] =	ssyncset.done $0x0  }
0x28: {  	[sflag:s14] =	ssyncadd.s32 $0xFFFFFB00  }
0x29: {  	[bflag:$0x0] =	sbarrier.arrive $0xFFFF  }
0x2a: {  	[tilespmem:s21], [sflag:$0x1] =	stream.indirect.gather [hbm4b:s6+s20], $0x40, s5, s20, $0xb8;
	[tilespmem:$0x16000] =	vst v63  }
0x2b: {  	s30 =	simm.s32 $0x80  }
0x2c: {  	[tilespmem:s22], [sflag:$0x2] =	stream.indirect.gather [hbm4b:s6+s20], $0x40, s30, s20, $0xb8;
	[tilespmem:$0x16000] =	vst v63  }
0x2d: {  	_ =	swait.ge [sflag:s23], $0x2000  }
0x2e: {  	[sflag:s23] =	ssyncset.done $0x0  }
0x2f: {  	s30 =	simm.s32 $0x2800;
	[sflag:s23] =	ssyncadd.s32 $0xFFFFE000  }
0x30: {  	[spmem:s3] =	stream.indirect.scatter.add.bf16 [tilespmem:s21], [sflag:$0x3], $0x40, s30, s20, $0xb8;
	[tilespmem:$0x16000] =	vst v63  }
0x31: {  	_ =	swait.ge [sflag:s14], $0x2000  }
0x32: {  	[sflag:s14] =	ssyncset.done $0x0  }
0x33: {  	[sflag:s14] =	ssyncadd.s32 $0xFFFFE000  }
0x34: {  	[spmem:s4] =	stream.indirect.scatter.add.f32 [tilespmem:s16], [sflag:$0x3], $0x10, s30, s20, $0xb8;
	[tilespmem:$0x16000] =	vst v63  }
0x35: {  	_ =	swait.ge [sflag:s14], $0x800  }
0x36: {  	[sflag:s14] =	ssyncset.done $0x0  }
0x37: {  	s30 =	simm.s32 $0x100;
	[sflag:s14] =	ssyncadd.s32 $0xFFFFF800  }
0x38: {  	[tilespmem:s21], [sflag:$0x1] =	stream.indirect.gather [hbm4b:s6+s20], $0x40, s30, s20, $0xb8;
	[tilespmem:$0x16000] =	vst v63  }
0x39: {  	_ =	swait.ge [sflag:s24], $0x2000  }
0x3a: {  	[sflag:s24] =	ssyncset.done $0x0  }
0x3b: {  	s30 =	simm.s32 $0x2880;
	[sflag:s24] =	ssyncadd.s32 $0xFFFFE000  }
0x3c: {  	[spmem:s3] =	stream.indirect.scatter.add.bf16 [tilespmem:s22], [sflag:$0x3], $0x40, s30, s20, $0xb8;
	[tilespmem:$0x16000] =	vst v63  }
0x3d: {  	_ =	swait.ge [sflag:s14], $0x2000  }
0x3e: {  	[sflag:s14] =	ssyncset.done $0x0  }
0x3f: {  	[sflag:s14] =	ssyncadd.s32 $0xFFFFE000  }
0x40: {  	[spmem:s4] =	stream.indirect.scatter.add.f32 [tilespmem:s16], [sflag:$0x3], $0x10, s30, s20, $0xb8;
	[tilespmem:$0x16000] =	vst v63  }
0x41: {  	_ =	swait.ge [sflag:s14], $0x800  }
0x42: {  	s31 =	simm.s32 $0x800;
	s30 =	simm.s32 $0x100;
	[sflag:s14] =	ssyncset.done $0x0  }
.LBB2_2:
0x43: {  	s1 =	sadd.s32 $0x80, s30  }
0x44: {  	[sflag:s14] =	ssyncadd.s32 $0xFFFFF800;
	s0 =	smov.u32 s31;
	s2 =	sadd.s32 $0x400, s31  }
0x45: {  	[tilespmem:s22], [sflag:$0x2] =	stream.indirect.gather [hbm4b:s6+s20], $0x40, s1, s20, $0xb8;
	[tilespmem:$0x16000] =	vst v63  }
0x46: {  	p0 =	sne.s32 s31, $0x9800;
	_ =	swait.ge [sflag:s23], $0x2000  }
0x47: {  	[sflag:s23] =	ssyncset.done $0x0  }
0x48: {  	s1 =	sadd.s32 $0x2800, s30;
	[sflag:s23] =	ssyncadd.s32 $0xFFFFE000  }
0x49: {  	[spmem:s3] =	stream.indirect.scatter.add.bf16 [tilespmem:s21], [sflag:$0x3], $0x40, s1, s20, $0xb8;
	[tilespmem:$0x16000] =	vst v63  }
0x4a: {  	_ =	swait.ge [sflag:s14], $0x2000  }
0x4b: {  	[sflag:s14] =	ssyncset.done $0x0  }
0x4c: {  	[sflag:s14] =	ssyncadd.s32 $0xFFFFE000  }
0x4d: {  	[spmem:s4] =	stream.indirect.scatter.add.f32 [tilespmem:s16], [sflag:$0x3], $0x10, s1, s20, $0xb8;
	[tilespmem:$0x16000] =	vst v63  }
0x4e: {  	_ =	swait.ge [sflag:s14], $0x800  }
0x4f: {  	[sflag:s14] =	ssyncset.done $0x0  }
0x50: {  	s1 =	sadd.s32 $0x100, s30;
	[sflag:s14] =	ssyncadd.s32 $0xFFFFF800  }
0x51: {  	[tilespmem:s21], [sflag:$0x1] =	stream.indirect.gather [hbm4b:s6+s20], $0x40, s1, s20, $0xb8;
	[tilespmem:$0x16000] =	vst v63  }
0x52: {  	_ =	swait.ge [sflag:s24], $0x2000  }
0x53: {  	[sflag:s24] =	ssyncset.done $0x0  }
0x54: {  	s1 =	sadd.s32 $0x2880, s30;
	[sflag:s24] =	ssyncadd.s32 $0xFFFFE000  }
0x55: {  	[spmem:s3] =	stream.indirect.scatter.add.bf16 [tilespmem:s22], [sflag:$0x3], $0x40, s1, s20, $0xb8;
	[tilespmem:$0x16000] =	vst v63  }
0x56: {  	_ =	swait.ge [sflag:s14], $0x2000  }
.Ltmp0:
0x57: {  	[sflag:s14] =	ssyncset.done $0x0;
	(pc) =	sbr.rel @p0 .LBB2_2-.Ltmp0, $4  }
0x58: {  	[sflag:s14] =	ssyncadd.s32 $0xFFFFE000  }
0x59: {  	[spmem:s4] =	stream.indirect.scatter.add.f32 [tilespmem:s16], [sflag:$0x3], $0x10, s1, s20, $0xb8;
	[tilespmem:$0x16000] =	vst v63  }
0x5a: {  	_ =	swait.ge [sflag:s14], $0x800  }
0x5b: {  	s31 =	smov.u32 s2;
	s30 =	sshra.s32 s0, $0x2;
	[sflag:s14] =	ssyncset.done $0x0  }
0x5c: {  	s0 =	sadd.s32 $0x80, s30;
	[sflag:s14] =	ssyncadd.s32 $0xFFFFF800  }
0x5d: {  	[tilespmem:s22], [sflag:$0x2] =	stream.indirect.gather [hbm4b:s6+s20], $0x40, s0, s20, $0xb8;
	[tilespmem:$0x16000] =	vst v63  }
0x5e: {  	_ =	swait.ge [sflag:s23], $0x2000  }
0x5f: {  	[sflag:s23] =	ssyncset.done $0x0  }
0x60: {  	s1 =	sadd.s32 $0x2800, s30;
	[sflag:s23] =	ssyncadd.s32 $0xFFFFE000  }
0x61: {  	[spmem:s3] =	stream.indirect.scatter.add.bf16 [tilespmem:s21], [sflag:$0x3], $0x40, s1, s20, $0xb8;
	[tilespmem:$0x16000] =	vst v63  }
0x62: {  	_ =	swait.ge [sflag:s14], $0x2000  }
0x63: {  	[sflag:s14] =	ssyncset.done $0x0  }
0x64: {  	[sflag:s14] =	ssyncadd.s32 $0xFFFFE000  }
0x65: {  	[spmem:s4] =	stream.indirect.scatter.add.f32 [tilespmem:s16], [sflag:$0x3], $0x10, s1, s20, $0xb8;
	[tilespmem:$0x16000] =	vst v63  }
0x66: {  	_ =	swait.ge [sflag:s14], $0x800  }
0x67: {  	[sflag:s14] =	ssyncset.done $0x0  }
0x68: {  	s2 =	sadd.s32 $0x100, s30;
	[sflag:s14] =	ssyncadd.s32 $0xFFFFF800  }
0x69: {  	[tilespmem:s21], [sflag:$0x1] =	stream.indirect.gather [hbm4b:s6+s20], $0x40, s2, s20, $0xb8;
	[tilespmem:$0x16000] =	vst v63  }
0x6a: {  	_ =	swait.ge [sflag:s24], $0x2000  }
0x6b: {  	[sflag:s24] =	ssyncset.done $0x0  }
0x6c: {  	s31 =	sadd.s32 $0x2880, s30;
	[sflag:s24] =	ssyncadd.s32 $0xFFFFE000  }
0x6d: {  	[spmem:s3] =	stream.indirect.scatter.add.bf16 [tilespmem:s22], [sflag:$0x3], $0x40, s31, s20, $0xb8;
	[tilespmem:$0x16000] =	vst v63  }
0x6e: {  	_ =	swait.ge [sflag:s14], $0x2000  }
0x6f: {  	[sflag:s14] =	ssyncset.done $0x0  }
0x70: {  	[sflag:s14] =	ssyncadd.s32 $0xFFFFE000  }
0x71: {  	[spmem:s4] =	stream.indirect.scatter.add.f32 [tilespmem:s16], [sflag:$0x3], $0x10, s31, s20, $0xb8;
	[tilespmem:$0x16000] =	vst v63  }
0x72: {  	_ =	swait.ge [sflag:s14], $0x800  }
0x73: {  	[sflag:s14] =	ssyncset.done $0x0  }
0x74: {  	[sflag:s14] =	ssyncadd.s32 $0xFFFFF800  }
0x75: {  	[tilespmem:s22], [sflag:$0x2] =	stream.indirect.gather [hbm4b:s6+s20], $0x40, s25, s20, $0xb8;
	[tilespmem:$0x16000] =	vst v63  }
0x76: {  	_ =	swait.ge [sflag:s23], $0x2000  }
0x77: {  	[sflag:s23] =	ssyncset.done $0x0  }
0x78: {  	[sflag:s23] =	ssyncadd.s32 $0xFFFFE000  }
0x79: {  	[spmem:s3] =	stream.indirect.scatter.add.bf16 [tilespmem:s21], [sflag:$0x3], $0x40, s26, s20, $0xb8;
	[tilespmem:$0x16000] =	vst v63  }
0x7a: {  	_ =	swait.ge [sflag:s14], $0x2000  }
0x7b: {  	[sflag:s14] =	ssyncset.done $0x0  }
0x7c: {  	[sflag:s14] =	ssyncadd.s32 $0xFFFFE000  }
0x7d: {  	[spmem:s4] =	stream.indirect.scatter.add.f32 [tilespmem:s16], [sflag:$0x3], $0x10, s26, s20, $0xb8;
	[tilespmem:$0x16000] =	vst v63  }
0x7e: {  	_ =	swait.ge [sflag:s14], $0x800  }
0x7f: {  	[sflag:s14] =	ssyncset.done $0x0  }
0x80: {  	[sflag:s14] =	ssyncadd.s32 $0xFFFFF800  }
0x81: {  	_ =	swait.ge [sflag:s24], $0x2000  }
0x82: {  	[sflag:s24] =	ssyncset.done $0x0  }
0x83: {  	[sflag:s24] =	ssyncadd.s32 $0xFFFFE000  }
0x84: {  	[spmem:s3] =	stream.indirect.scatter.add.bf16 [tilespmem:s22], [sflag:$0x3], $0x40, s28, s20, $0xb8;
	[tilespmem:$0x16000] =	vst v63  }
0x85: {  	_ =	swait.ge [sflag:s14], $0x2000  }
0x86: {  	[sflag:s14] =	ssyncset.done $0x0  }
0x87: {  	[sflag:s14] =	ssyncadd.s32 $0xFFFFE000  }
0x88: {  	[spmem:s4] =	stream.indirect.scatter.add.f32 [tilespmem:s16], [sflag:$0x3], $0x10, s28, s20, $0xb8;
	[tilespmem:$0x16000] =	vst v63  }
0x89: {  	_ =	swait.ge [sflag:s14], $0x800  }
0x8a: {  	[sflag:s14] =	ssyncset.done $0x0  }
0x8b: {  	[sflag:s14] =	ssyncadd.s32 $0xFFFFF800  }
0x8c: {  	[bflag:$0x0] =	sbarrier.arrive $0xFFFF  }
0x8d: {  	[hbm:s11], [sflag:s17] =	dma.local [spmem:s18], $0x1400  }
0x8e: {  	s29 =	sadd.s32 $0x1, s29;
	_ =	swait.ge [sflag:s14], $0x1400  }
0x8f: {  	p0 =	sne.s32 s29, s13;
	[sflag:s14] =	ssyncset.done $0x0  }
.Ltmp1:
0x90: {  	[sflag:s14] =	ssyncadd.s32 $0xFFFFEC00;
	(pc) =	sbr.rel @p0 .LBB2_1-.Ltmp1, $4  }
0x91: {  	[hbm:s12], [sflag:s17] =	dma.local [spmem:s19], $0x500  }
0x92: {  	_ =	swait.ge [sflag:s14], $0x500  }
0x93: {  	[sflag:s14] =	ssyncset.done $0x0  }
0x94: {  	[sflag:s14] =	ssyncadd.s32 $0xFFFFFB00  }
0x95: {  	_ =	sfence.sel $0x180000  }
0x96: {  	[bflag:$0x0] =	sbarrier.arrive $0xFFFF  }
0x97: {  	_ =	strace $0x90000047  }
0x98: {  	s0 =	stileid.u32;
	[bflag:$0x2] =	sbarrier.arrive $0xFFFF  }
0x99: {  	p0 =	sne.s32 s0, $0x0;
	s0 =	rddreg [dreg:$0x4]  }
0x9a: {  	s0 =	sadd.s32 @!p0 $0x100000, s0  }
0x9b: {  	[sflag:s0] =	ssyncadd.tile.s32 @!p0 $0x1;
	_ =	shalt  }
.Lfunc_end2:
_tile_overlayer_lowered:
.L_overlay_start_2:
0x9c: {  	(tag) =	ssettag $0x2  }
0x9d: {  	s0 =	rddreg [dreg:$0x0];
	s2 =	stileid.u32  }
0x9e: {  	s1 =	rddreg [dreg:$0x1];
	p0 =	sne.s32 s2, $0x0  }
0x9f: {  	s3 =	rddreg [dreg:$0x2];
	[bflag:$0x3] =	sbarrier.arrive $0xFFFF;
	s2 =	simm.s32 @!p0 $0x1C03  }
0xa0: {  	[timem:s3], [sflag:s2] =	dma.local @!p0 [hbm:s0], s1  }
0xa1: {  	s0 =	simm.s32 @!p0 $0x3  }
0xa2: {  	_ =	swait.ge @!p0 [sflag:s0], s1  }
0xa3: {  	s1 =	ssub.s32 @!p0 $0x0, s1;
	[sflag:s0] =	ssyncset.done @!p0 $0x0  }
0xa4: {  	[sflag:s0] =	ssyncadd.s32 @!p0 s1  }
0xa5: {  	[bflag:$0x3] =	sbarrier.arrive $0xFFFF  }
0xa6: {  	_ =	shalt  }

</sc_bundles>
